<compile_context>
chip_gen: v7x
topology: tpu7x:2x2x1
jax: 0.10.2.dev20260603
libtpu: 0.0.44.dev20260713+nightly
codegen_flags: <defaults>
</compile_context>

<pallas_src>
import jax
import jax.numpy as jnp
from jax import lax
from jax.experimental import pallas as pl
from jax.experimental.pallas import tpu as pltpu
from jax.experimental.pallas import tpu_sc as plsc

BN = 7168
NP = 100352
NC = 2
NS = 16
NW = NC * NS
NCH = 8
KCH0 = 472
KCH1 = 312
R0 = NCH * KCH0
R1 = NCH * KCH1


def _sc_gather_body(x_hbm, e_hbm, g_hbm, idx_v, r_v, gsem, wsem):
    cc = lax.axis_index("c")
    ss = lax.axis_index("s")

    def pipeline(base, kch):
        rows = NCH * kch
        pltpu.sync_copy(e_hbm.at[pl.ds(base, rows)], idx_v.at[pl.ds(0, rows)])

        def start_gather(j):
            return pltpu.async_copy(
                x_hbm.at[idx_v.at[pl.ds(j * kch, kch)]],
                r_v.at[j % 2, pl.ds(0, kch)], gsem)

        def start_writeback(j):
            return pltpu.async_copy(
                r_v.at[j % 2, pl.ds(0, kch)],
                g_hbm.at[pl.ds(base + j * kch, kch)], wsem)

        g_cp = {0: start_gather(0)}
        w_cp = {}
        for j in range(NCH):
            if j + 1 < NCH:
                if j - 1 in w_cp:
                    w_cp.pop(j - 1).wait()
                g_cp[j + 1] = start_gather(j + 1)
            g_cp.pop(j).wait()
            w_cp[j] = start_writeback(j)
        for j in sorted(w_cp):
            w_cp[j].wait()

    @pl.when(cc == 0)
    def _():
        pipeline(ss * R0, KCH0)

    @pl.when(cc == 1)
    def _():
        pipeline(NS * R0 + ss * R1, KCH1)


def _combine_body(x_ref, g_ref, ws_ref, wn_ref, vm_ref, out_ref):
    xb = x_ref[...]
    g = g_ref[...]
    lane = lax.broadcasted_iota(jnp.int32, xb.shape, 1)
    first3 = lane < 3
    comb = jnp.where(first3, g, g + xb)
    diff = xb - g
    sel3 = jnp.where(lane[0:1, :] < 3, jnp.float32(1.0), jnp.float32(0.0))
    dt = (((1,), (1,)), ((), ()))
    d2 = lax.dot_general(sel3, diff * diff, dt,
                         preferred_element_type=jnp.float32)
    rec = vm_ref[...] / jnp.where(d2 > 0.0, d2, jnp.float32(1e-4))
    dn = (((0,), (1,)), ((), ()))
    r = lax.dot_general(wn_ref[...], comb, dn,
                        preferred_element_type=jnp.float32)
    s = lax.dot_general(ws_ref[...], xb, dn,
                        preferred_element_type=jnp.float32)
    out_ref[...] = r * rec + s * vm_ref[...]


def kernel(x, neighbor_idx, w_s, w_n):
    n, f = x.shape
    c = w_s.shape[1]
    grid = NP // BN

    idx0 = neighbor_idx[:, 0]
    idx1 = neighbor_idx[:, 1]
    e = jnp.where(idx1 != 0, idx1, idx0)
    e_pad = jnp.concatenate([e, jnp.zeros((NP - n,), jnp.int32)])
    vmask = (e != 0).astype(jnp.float32).reshape(1, n)

    mesh = plsc.VectorSubcoreMesh(core_axis_name="c", subcore_axis_name="s",
                                  num_cores=NC, num_subcores=NS)
    g = pl.kernel(
        _sc_gather_body,
        out_type=jax.ShapeDtypeStruct((NP, f), jnp.float32),
        mesh=mesh,
        scratch_types=[
            pltpu.VMEM((R0,), jnp.int32),
            pltpu.VMEM((2, KCH0, f), jnp.float32),
            pltpu.SemaphoreType.DMA,
            pltpu.SemaphoreType.DMA,
        ],
    )(x, e_pad)

    out_t = pl.pallas_call(
        _combine_body,
        grid=(grid,),
        in_specs=[
            pl.BlockSpec((BN, f), lambda i: (i, 0)),
            pl.BlockSpec((BN, f), lambda i: (i, 0)),
            pl.BlockSpec((f, c), lambda i: (0, 0)),
            pl.BlockSpec((f, c), lambda i: (0, 0)),
            pl.BlockSpec((1, BN), lambda i: (0, i)),
        ],
        out_specs=pl.BlockSpec((c, BN), lambda i: (0, i)),
        out_shape=jax.ShapeDtypeStruct((c, n), jnp.float32),
    )(x, g, w_s, w_n, vmask)

    return out_t.T

# --- scband reference (transcript-rebuilt; emitter-appended) ---
"""Pipeline reference for scband-rule-graph-conv-layer-49864570307076 (READ-ONLY COPY).

The authoritative reference and input builder live on the scoring server;
editing this copy changes nothing except your own understanding.
"""

import jax, jax.numpy as jnp
import numpy as np

N = 100000
F = 128  # num_features
C = 32   # out_channel
NUM_BOND = 0


def _glorot(key, shape):
    limit = np.sqrt(6.0 / (shape[0] + shape[1]))
    return jax.random.uniform(key, shape, dtype=jnp.float32, minval=-limit, maxval=limit)


def setup_inputs(seed: int = 0) -> dict:
    key = jax.random.key(seed)
    k1, k2, k3, k4 = jax.random.split(key, 4)
    x = jax.random.normal(k1, (N, F), dtype=jnp.float32)
    neighbor_idx = jax.random.randint(k2, (N, 2), 0, N, dtype=jnp.int32)
    w_s = _glorot(k3, (F, C))
    w_n = _glorot(k4, (F + NUM_BOND, C))
    return {"x": x, "neighbor_idx": neighbor_idx, "w_s": w_s, "w_n": w_n}


def reference(x, neighbor_idx, w_s, w_n):
    # Faithful vectorized translation of RuleGraphConvLayer._call_single with
    # combination_rules = [[[0, 3], 'distance'], [[3, F], 'sum']] (set via addRule).
    # Neighbor index 0 means "no neighbor" (the TF code skips v when the index
    # column is 0); slot v=1 overwrites slot v=0 in the TensorArray, and nodes
    # with no valid neighbor remain zeros (unwritten TensorArray entries).
    new_features = x @ w_s  # self term, per-node matmul over w_s

    def combine(v):
        idx_v = neighbor_idx[:, v]
        nbr = jnp.take(x, idx_v, axis=0)  # gather neighbor rows
        # rule 0: 'distance' on slice [0:3] -> write neighbor slice, record distance
        d = jnp.sqrt(jnp.sum(jnp.square(x[:, 0:3] - nbr[:, 0:3]), axis=1))
        part0 = nbr[:, 0:3]
        # rule 1: 'sum' on slice [3:F]
        part1 = x[:, 3:F] + nbr[:, 3:F]
        comb = jnp.concatenate([part0, part1], axis=1)  # [N, F]
        d = jnp.where(d > 0.0, d, 0.01)
        comb = comb / jnp.square(d)[:, None]
        return comb @ w_n + new_features  # [N, C]

    r0 = combine(0)
    r1 = combine(1)
    valid0 = (neighbor_idx[:, 0] != 0)[:, None]
    valid1 = (neighbor_idx[:, 1] != 0)[:, None]
    out = jnp.where(valid1, r1, jnp.where(valid0, r0, jnp.zeros_like(r0)))
    return out

if __name__ == "__main__":
    import jax
    _d = setup_inputs()
    print(jax.jit(kernel)(*tuple(_d.values())))

</pallas_src>

<mosaic_0001>
#map = affine_map<(d0, d1) -> (0, 0)>
#map1 = affine_map<(d0, d1) -> (0)>
module attributes {stable_mosaic.version = 14 : i64} {
  func.func @_sc_gather_body(%arg0: i32, %arg1: i32, %arg2: memref<100000x128xf32, #tpu.memory_space<hbm>>, %arg3: memref<100352xi32, #tpu.memory_space<hbm>>, %arg4: memref<100352x128xf32, #tpu.memory_space<hbm>>, %arg5: memref<3776xi32, #tpu.memory_space<vmem>>, %arg6: memref<2x472x128xf32, #tpu.memory_space<vmem>>, %arg7: memref<!tpu.dma_semaphore, #tpu.memory_space<semaphore_mem>>, %arg8: memref<!tpu.dma_semaphore, #tpu.memory_space<semaphore_mem>>) attributes {dimension_semantics = [#tpu.dimension_semantics<core_parallel>, #tpu.dimension_semantics<subcore_parallel>], iteration_bounds = array<i64: 2, 16>, scalar_prefetch = 0 : i64, scratch_operands = 4 : i64, tpu.core_type = #tpu.core_type<sc_vector_subcore>, window_params = [{transform_indices = #map}, {transform_indices = #map1}, {transform_indices = #map}]} {
    %eq3A = arith.constant 0 : i32
    %eq3A_0 = arith.cmpi eq, %arg0, %eq3A : i32
    %convert_element_type3A = arith.extui %eq3A_0 : i1 to i32
    %cond3A = arith.constant 0 : i32
    %cond3A_1 = arith.cmpi ne, %convert_element_type3A, %cond3A : i32
    scf.if %cond3A_1 {
      %mul3A = arith.constant 3776 : i32
      %mul3A_7 = arith.muli %arg1, %mul3A : i32
      "tpu.region"() ({
        %run_scoped3A = tpu.sem_alloc : memref<!tpu.dma_semaphore, #tpu.memory_space<semaphore_mem>>
        %dma_start3A_389 = arith.constant 0 : i32
        %dma_start3A_390 = tpu.memref_slice %arg5[%dma_start3A_389] : memref<3776xi32, #tpu.memory_space<vmem>> -> memref<3776xi32, #tpu.memory_space<vmem>>
        %dma_start3A_391 = tpu.memref_slice %arg3[%mul3A_7] : memref<100352xi32, #tpu.memory_space<hbm>> -> memref<3776xi32, #tpu.memory_space<hbm>>
        %dma_start3A_392 = arith.constant 0 : i32
        %dma_start3A_393 = tpu.memref_slice %arg5[%dma_start3A_392] : memref<3776xi32, #tpu.memory_space<vmem>> -> memref<3776xi32, #tpu.memory_space<vmem>>
        %dma_start3A_394 = tpu.memref_slice %arg3[%mul3A_7] : memref<100352xi32, #tpu.memory_space<hbm>> -> memref<3776xi32, #tpu.memory_space<hbm>>
        tpu.enqueue_dma source(%dma_start3A_394 : memref<3776xi32, #tpu.memory_space<hbm>>) target(%dma_start3A_393 : memref<3776xi32, #tpu.memory_space<vmem>>) target_semaphore(%run_scoped3A : memref<!tpu.dma_semaphore, #tpu.memory_space<semaphore_mem>>)
        %dma_wait3A_395 = arith.constant 0 : i32
        %dma_wait3A_396 = tpu.memref_slice %arg5[%dma_wait3A_395] : memref<3776xi32, #tpu.memory_space<vmem>> -> memref<3776xi32, #tpu.memory_space<vmem>>
        %dma_wait3A_397 = tpu.memref_slice %arg3[%mul3A_7] : memref<100352xi32, #tpu.memory_space<hbm>> -> memref<3776xi32, #tpu.memory_space<hbm>>
        %dma_wait3A_398 = arith.constant 0 : i32
        %dma_wait3A_399 = tpu.memref_slice %arg5[%dma_wait3A_398] : memref<3776xi32, #tpu.memory_space<vmem>> -> memref<3776xi32, #tpu.memory_space<vmem>>
        %dma_wait3A_400 = tpu.memref_slice %arg3[%mul3A_7] : memref<100352xi32, #tpu.memory_space<hbm>> -> memref<3776xi32, #tpu.memory_space<hbm>>
        tpu.wait_dma2 semaphore(%run_scoped3A : memref<!tpu.dma_semaphore, #tpu.memory_space<semaphore_mem>>) src(%dma_wait3A_400 : memref<3776xi32, #tpu.memory_space<hbm>>) dst(%dma_wait3A_399 : memref<3776xi32, #tpu.memory_space<vmem>>)
        tpu.yield
      }) : () -> ()
      %dma_start3A = arith.constant 0 : i32
      %dma_start3A_8 = arith.constant 0 : i32
      %dma_start3A_9 = arith.constant 0 : i32
      %dma_start3A_10 = tpu.memref_slice %arg6[%dma_start3A, %dma_start3A_8, %dma_start3A_9] : memref<2x472x128xf32, #tpu.memory_space<vmem>> -> memref<1x472x128xf32, #tpu.memory_space<vmem>>
      %dma_start3A_11 = tpu.memref_squeeze %dma_start3A_10 : memref<1x472x128xf32, #tpu.memory_space<vmem>> -> memref<472x128xf32, #tpu.memory_space<vmem>>
      %dma_start3A_12 = arith.constant 0 : i32
      %dma_start3A_13 = tpu.memref_slice %arg5[%dma_start3A_12] : memref<3776xi32, #tpu.memory_space<vmem>> -> memref<472xi32, #tpu.memory_space<vmem>>
      %dma_start3A_14 = arith.constant 0 : i32
      %dma_start3A_15 = arith.constant 0 : i32
      %dma_start3A_16 = tpu.memref_slice %arg2[%dma_start3A_14, %dma_start3A_15] : memref<100000x128xf32, #tpu.memory_space<hbm>> -> memref<100000x128xf32, #tpu.memory_space<hbm>>
      tpu.enqueue_indirect_dma source(%dma_start3A_16 : memref<100000x128xf32, #tpu.memory_space<hbm>>) target(%dma_start3A_11 : memref<472x128xf32, #tpu.memory_space<vmem>>) offsets(%dma_start3A_13 : memref<472xi32, #tpu.memory_space<vmem>>) semaphore(%arg7 : memref<!tpu.dma_semaphore, #tpu.memory_space<semaphore_mem>>)
      %dma_start3A_17 = arith.constant 1 : i32
      %dma_start3A_18 = arith.constant 0 : i32
      %dma_start3A_19 = arith.constant 0 : i32
      %dma_start3A_20 = tpu.memref_slice %arg6[%dma_start3A_17, %dma_start3A_18, %dma_start3A_19] : memref<2x472x128xf32, #tpu.memory_space<vmem>> -> memref<1x472x128xf32, #tpu.memory_space<vmem>>
      %dma_start3A_21 = tpu.memref_squeeze %dma_start3A_20 : memref<1x472x128xf32, #tpu.memory_space<vmem>> -> memref<472x128xf32, #tpu.memory_space<vmem>>
      %dma_start3A_22 = arith.constant 472 : i32
      %dma_start3A_23 = tpu.memref_slice %arg5[%dma_start3A_22] : memref<3776xi32, #tpu.memory_space<vmem>> -> memref<472xi32, #tpu.memory_space<vmem>>
      %dma_start3A_24 = arith.constant 0 : i32
      %dma_start3A_25 = arith.constant 0 : i32
      %dma_start3A_26 = tpu.memref_slice %arg2[%dma_start3A_24, %dma_start3A_25] : memref<100000x128xf32, #tpu.memory_space<hbm>> -> memref<100000x128xf32, #tpu.memory_space<hbm>>
      tpu.enqueue_indirect_dma source(%dma_start3A_26 : memref<100000x128xf32, #tpu.memory_space<hbm>>) target(%dma_start3A_21 : memref<472x128xf32, #tpu.memory_space<vmem>>) offsets(%dma_start3A_23 : memref<472xi32, #tpu.memory_space<vmem>>) semaphore(%arg7 : memref<!tpu.dma_semaphore, #tpu.memory_space<semaphore_mem>>)
      %dma_wait3A = arith.constant 0 : i32
      %dma_wait3A_27 = arith.constant 0 : i32
      %dma_wait3A_28 = arith.constant 0 : i32
      %dma_wait3A_29 = tpu.memref_slice %arg6[%dma_wait3A, %dma_wait3A_27, %dma_wait3A_28] : memref<2x472x128xf32, #tpu.memory_space<vmem>> -> memref<1x472x128xf32, #tpu.memory_space<vmem>>
      %dma_wait3A_30 = tpu.memref_squeeze %dma_wait3A_29 : memref<1x472x128xf32, #tpu.memory_space<vmem>> -> memref<472x128xf32, #tpu.memory_space<vmem>>
      %dma_wait3A_31 = arith.constant 0 : i32
      %dma_wait3A_32 = tpu.memref_slice %arg5[%dma_wait3A_31] : memref<3776xi32, #tpu.memory_space<vmem>> -> memref<472xi32, #tpu.memory_space<vmem>>
      %dma_wait3A_33 = arith.constant 0 : i32
      %dma_wait3A_34 = arith.constant 0 : i32
      %dma_wait3A_35 = tpu.memref_slice %arg2[%dma_wait3A_33, %dma_wait3A_34] : memref<100000x128xf32, #tpu.memory_space<hbm>> -> memref<100000x128xf32, #tpu.memory_space<hbm>>
      tpu.wait_indirect_dma semaphore(%arg7 : memref<!tpu.dma_semaphore, #tpu.memory_space<semaphore_mem>>) src(%dma_wait3A_35 : memref<100000x128xf32, #tpu.memory_space<hbm>>) dst(%dma_wait3A_30 : memref<472x128xf32, #tpu.memory_space<vmem>>)
      %add3A = arith.constant 0 : i32
      %add3A_36 = arith.addi %mul3A_7, %add3A : i32
      %dma_start3A_37 = arith.constant 0 : i32
      %dma_start3A_38 = arith.constant 0 : i32
      %dma_start3A_39 = arith.constant 0 : i32
      %dma_start3A_40 = tpu.memref_slice %arg6[%dma_start3A_37, %dma_start3A_38, %dma_start3A_39] : memref<2x472x128xf32, #tpu.memory_space<vmem>> -> memref<1x472x128xf32, #tpu.memory_space<vmem>>
      %dma_start3A_41 = tpu.memref_squeeze %dma_start3A_40 : memref<1x472x128xf32, #tpu.memory_space<vmem>> -> memref<472x128xf32, #tpu.memory_space<vmem>>
      %dma_start3A_42 = arith.constant 0 : i32
      %dma_start3A_43 = tpu.memref_slice %arg4[%add3A_36, %dma_start3A_42] : memref<100352x128xf32, #tpu.memory_space<hbm>> -> memref<472x128xf32, #tpu.memory_space<hbm>>
      %dma_start3A_44 = arith.constant 0 : i32
      %dma_start3A_45 = tpu.memref_slice %arg4[%add3A_36, %dma_start3A_44] : memref<100352x128xf32, #tpu.memory_space<hbm>> -> memref<472x128xf32, #tpu.memory_space<hbm>>
      %dma_start3A_46 = arith.constant 0 : i32
      %dma_start3A_47 = arith.constant 0 : i32
      %dma_start3A_48 = tpu.memref_slice %arg6[%dma_start3A_37, %dma_start3A_46, %dma_start3A_47] : memref<2x472x128xf32, #tpu.memory_space<vmem>> -> memref<1x472x128xf32, #tpu.memory_space<vmem>>
      %dma_start3A_49 = tpu.memref_squeeze %dma_start3A_48 : memref<1x472x128xf32, #tpu.memory_space<vmem>> -> memref<472x128xf32, #tpu.memory_space<vmem>>
      tpu.enqueue_dma source(%dma_start3A_49 : memref<472x128xf32, #tpu.memory_space<vmem>>) target(%dma_start3A_45 : memref<472x128xf32, #tpu.memory_space<hbm>>) target_semaphore(%arg8 : memref<!tpu.dma_semaphore, #tpu.memory_space<semaphore_mem>>)
      %dma_wait3A_50 = arith.constant 0 : i32
      %dma_wait3A_51 = arith.constant 0 : i32
      %dma_wait3A_52 = arith.constant 0 : i32
      %dma_wait3A_53 = tpu.memref_slice %arg6[%dma_wait3A_50, %dma_wait3A_51, %dma_wait3A_52] : memref<2x472x128xf32, #tpu.memory_space<vmem>> -> memref<1x472x128xf32, #tpu.memory_space<vmem>>
      %dma_wait3A_54 = tpu.memref_squeeze %dma_wait3A_53 : memref<1x472x128xf32, #tpu.memory_space<vmem>> -> memref<472x128xf32, #tpu.memory_space<vmem>>
      %dma_wait3A_55 = arith.constant 0 : i32
      %dma_wait3A_56 = tpu.memref_slice %arg4[%add3A_36, %dma_wait3A_55] : memref<100352x128xf32, #tpu.memory_space<hbm>> -> memref<472x128xf32, #tpu.memory_space<hbm>>
      %dma_wait3A_57 = arith.constant 0 : i32
      %dma_wait3A_58 = tpu.memref_slice %arg4[%add3A_36, %dma_wait3A_57] : memref<100352x128xf32, #tpu.memory_space<hbm>> -> memref<472x128xf32, #tpu.memory_space<hbm>>
      %dma_wait3A_59 = arith.constant 0 : i32
      %dma_wait3A_60 = arith.constant 0 : i32
      %dma_wait3A_61 = tpu.memref_slice %arg6[%dma_wait3A_50, %dma_wait3A_59, %dma_wait3A_60] : memref<2x472x128xf32, #tpu.memory_space<vmem>> -> memref<1x472x128xf32, #tpu.memory_space<vmem>>
      %dma_wait3A_62 = tpu.memref_squeeze %dma_wait3A_61 : memref<1x472x128xf32, #tpu.memory_space<vmem>> -> memref<472x128xf32, #tpu.memory_space<vmem>>
      tpu.wait_dma2 semaphore(%arg8 : memref<!tpu.dma_semaphore, #tpu.memory_space<semaphore_mem>>) src(%dma_wait3A_62 : memref<472x128xf32, #tpu.memory_space<vmem>>) dst(%dma_wait3A_58 : memref<472x128xf32, #tpu.memory_space<hbm>>)
      %dma_start3A_63 = arith.constant 0 : i32
      %dma_start3A_64 = arith.constant 0 : i32
      %dma_start3A_65 = arith.constant 0 : i32
      %dma_start3A_66 = tpu.memref_slice %arg6[%dma_start3A_63, %dma_start3A_64, %dma_start3A_65] : memref<2x472x128xf32, #tpu.memory_space<vmem>> -> memref<1x472x128xf32, #tpu.memory_space<vmem>>
      %dma_start3A_67 = tpu.memref_squeeze %dma_start3A_66 : memref<1x472x128xf32, #tpu.memory_space<vmem>> -> memref<472x128xf32, #tpu.memory_space<vmem>>
      %dma_start3A_68 = arith.constant 944 : i32
      %dma_start3A_69 = tpu.memref_slice %arg5[%dma_start3A_68] : memref<3776xi32, #tpu.memory_space<vmem>> -> memref<472xi32, #tpu.memory_space<vmem>>
      %dma_start3A_70 = arith.constant 0 : i32
      %dma_start3A_71 = arith.constant 0 : i32
      %dma_start3A_72 = tpu.memref_slice %arg2[%dma_start3A_70, %dma_start3A_71] : memref<100000x128xf32, #tpu.memory_space<hbm>> -> memref<100000x128xf32, #tpu.memory_space<hbm>>
      tpu.enqueue_indirect_dma source(%dma_start3A_72 : memref<100000x128xf32, #tpu.memory_space<hbm>>) target(%dma_start3A_67 : memref<472x128xf32, #tpu.memory_space<vmem>>) offsets(%dma_start3A_69 : memref<472xi32, #tpu.memory_space<vmem>>) semaphore(%arg7 : memref<!tpu.dma_semaphore, #tpu.memory_space<semaphore_mem>>)
      %dma_wait3A_73 = arith.constant 1 : i32
      %dma_wait3A_74 = arith.constant 0 : i32
      %dma_wait3A_75 = arith.constant 0 : i32
      %dma_wait3A_76 = tpu.memref_slice %arg6[%dma_wait3A_73, %dma_wait3A_74, %dma_wait3A_75] : memref<2x472x128xf32, #tpu.memory_space<vmem>> -> memref<1x472x128xf32, #tpu.memory_space<vmem>>
      %dma_wait3A_77 = tpu.memref_squeeze %dma_wait3A_76 : memref<1x472x128xf32, #tpu.memory_space<vmem>> -> memref<472x128xf32, #tpu.memory_space<vmem>>
      %dma_wait3A_78 = arith.constant 472 : i32
      %dma_wait3A_79 = tpu.memref_slice %arg5[%dma_wait3A_78] : memref<3776xi32, #tpu.memory_space<vmem>> -> memref<472xi32, #tpu.memory_space<vmem>>
      %dma_wait3A_80 = arith.constant 0 : i32
      %dma_wait3A_81 = arith.constant 0 : i32
      %dma_wait3A_82 = tpu.memref_slice %arg2[%dma_wait3A_80, %dma_wait3A_81] : memref<100000x128xf32, #tpu.memory_space<hbm>> -> memref<100000x128xf32, #tpu.memory_space<hbm>>
      tpu.wait_indirect_dma semaphore(%arg7 : memref<!tpu.dma_semaphore, #tpu.memory_space<semaphore_mem>>) src(%dma_wait3A_82 : memref<100000x128xf32, #tpu.memory_space<hbm>>) dst(%dma_wait3A_77 : memref<472x128xf32, #tpu.memory_space<vmem>>)
      %add3A_83 = arith.constant 472 : i32
      %add3A_84 = arith.addi %mul3A_7, %add3A_83 : i32
      %dma_start3A_85 = arith.constant 1 : i32
      %dma_start3A_86 = arith.constant 0 : i32
      %dma_start3A_87 = arith.constant 0 : i32
      %dma_start3A_88 = tpu.memref_slice %arg6[%dma_start3A_85, %dma_start3A_86, %dma_start3A_87] : memref<2x472x128xf32, #tpu.memory_space<vmem>> -> memref<1x472x128xf32, #tpu.memory_space<vmem>>
      %dma_start3A_89 = tpu.memref_squeeze %dma_start3A_88 : memref<1x472x128xf32, #tpu.memory_space<vmem>> -> memref<472x128xf32, #tpu.memory_space<vmem>>
      %dma_start3A_90 = arith.constant 0 : i32
      %dma_start3A_91 = tpu.memref_slice %arg4[%add3A_84, %dma_start3A_90] : memref<100352x128xf32, #tpu.memory_space<hbm>> -> memref<472x128xf32, #tpu.memory_space<hbm>>
      %dma_start3A_92 = arith.constant 0 : i32
      %dma_start3A_93 = tpu.memref_slice %arg4[%add3A_84, %dma_start3A_92] : memref<100352x128xf32, #tpu.memory_space<hbm>> -> memref<472x128xf32, #tpu.memory_space<hbm>>
      %dma_start3A_94 = arith.constant 0 : i32
      %dma_start3A_95 = arith.constant 0 : i32
      %dma_start3A_96 = tpu.memref_slice %arg6[%dma_start3A_85, %dma_start3A_94, %dma_start3A_95] : memref<2x472x128xf32, #tpu.memory_space<vmem>> -> memref<1x472x128xf32, #tpu.memory_space<vmem>>
      %dma_start3A_97 = tpu.memref_squeeze %dma_start3A_96 : memref<1x472x128xf32, #tpu.memory_space<vmem>> -> memref<472x128xf32, #tpu.memory_space<vmem>>
      tpu.enqueue_dma source(%dma_start3A_97 : memref<472x128xf32, #tpu.memory_space<vmem>>) target(%dma_start3A_93 : memref<472x128xf32, #tpu.memory_space<hbm>>) target_semaphore(%arg8 : memref<!tpu.dma_semaphore, #tpu.memory_space<semaphore_mem>>)
      %dma_wait3A_98 = arith.constant 1 : i32
      %dma_wait3A_99 = arith.constant 0 : i32
      %dma_wait3A_100 = arith.constant 0 : i32
      %dma_wait3A_101 = tpu.memref_slice %arg6[%dma_wait3A_98, %dma_wait3A_99, %dma_wait3A_100] : memref<2x472x128xf32, #tpu.memory_space<vmem>> -> memref<1x472x128xf32, #tpu.memory_space<vmem>>
      %dma_wait3A_102 = tpu.memref_squeeze %dma_wait3A_101 : memref<1x472x128xf32, #tpu.memory_space<vmem>> -> memref<472x128xf32, #tpu.memory_space<vmem>>
      %dma_wait3A_103 = arith.constant 0 : i32
      %dma_wait3A_104 = tpu.memref_slice %arg4[%add3A_84, %dma_wait3A_103] : memref<100352x128xf32, #tpu.memory_space<hbm>> -> memref<472x128xf32, #tpu.memory_space<hbm>>
      %dma_wait3A_105 = arith.constant 0 : i32
      %dma_wait3A_106 = tpu.memref_slice %arg4[%add3A_84, %dma_wait3A_105] : memref<100352x128xf32, #tpu.memory_space<hbm>> -> memref<472x128xf32, #tpu.memory_space<hbm>>
      %dma_wait3A_107 = arith.constant 0 : i32
      %dma_wait3A_108 = arith.constant 0 : i32
      %dma_wait3A_109 = tpu.memref_slice %arg6[%dma_wait3A_98, %dma_wait3A_107, %dma_wait3A_108] : memref<2x472x128xf32, #tpu.memory_space<vmem>> -> memref<1x472x128xf32, #tpu.memory_space<vmem>>
      %dma_wait3A_110 = tpu.memref_squeeze %dma_wait3A_109 : memref<1x472x128xf32, #tpu.memory_space<vmem>> -> memref<472x128xf32, #tpu.memory_space<vmem>>
      tpu.wait_dma2 semaphore(%arg8 : memref<!tpu.dma_semaphore, #tpu.memory_space<semaphore_mem>>) src(%dma_wait3A_110 : memref<472x128xf32, #tpu.memory_space<vmem>>) dst(%dma_wait3A_106 : memref<472x128xf32, #tpu.memory_space<hbm>>)
      %dma_start3A_111 = arith.constant 1 : i32
      %dma_start3A_112 = arith.constant 0 : i32
      %dma_start3A_113 = arith.constant 0 : i32
      %dma_start3A_114 = tpu.memref_slice %arg6[%dma_start3A_111, %dma_start3A_112, %dma_start3A_113] : memref<2x472x128xf32, #tpu.memory_space<vmem>> -> memref<1x472x128xf32, #tpu.memory_space<vmem>>
      %dma_start3A_115 = tpu.memref_squeeze %dma_start3A_114 : memref<1x472x128xf32, #tpu.memory_space<vmem>> -> memref<472x128xf32, #tpu.memory_space<vmem>>
      %dma_start3A_116 = arith.constant 1416 : i32
      %dma_start3A_117 = tpu.memref_slice %arg5[%dma_start3A_116] : memref<3776xi32, #tpu.memory_space<vmem>> -> memref<472xi32, #tpu.memory_space<vmem>>
      %dma_start3A_118 = arith.constant 0 : i32
      %dma_start3A_119 = arith.constant 0 : i32
      %dma_start3A_120 = tpu.memref_slice %arg2[%dma_start3A_118, %dma_start3A_119] : memref<100000x128xf32, #tpu.memory_space<hbm>> -> memref<100000x128xf32, #tpu.memory_space<hbm>>
      tpu.enqueue_indirect_dma source(%dma_start3A_120 : memref<100000x128xf32, #tpu.memory_space<hbm>>) target(%dma_start3A_115 : memref<472x128xf32, #tpu.memory_space<vmem>>) offsets(%dma_start3A_117 : memref<472xi32, #tpu.memory_space<vmem>>) semaphore(%arg7 : memref<!tpu.dma_semaphore, #tpu.memory_space<semaphore_mem>>)
      %dma_wait3A_121 = arith.constant 0 : i32
      %dma_wait3A_122 = arith.constant 0 : i32
      %dma_wait3A_123 = arith.constant 0 : i32
      %dma_wait3A_124 = tpu.memref_slice %arg6[%dma_wait3A_121, %dma_wait3A_122, %dma_wait3A_123] : memref<2x472x128xf32, #tpu.memory_space<vmem>> -> memref<1x472x128xf32, #tpu.memory_space<vmem>>
      %dma_wait3A_125 = tpu.memref_squeeze %dma_wait3A_124 : memref<1x472x128xf32, #tpu.memory_space<vmem>> -> memref<472x128xf32, #tpu.memory_space<vmem>>
      %dma_wait3A_126 = arith.constant 944 : i32
      %dma_wait3A_127 = tpu.memref_slice %arg5[%dma_wait3A_126] : memref<3776xi32, #tpu.memory_space<vmem>> -> memref<472xi32, #tpu.memory_space<vmem>>
      %dma_wait3A_128 = arith.constant 0 : i32
      %dma_wait3A_129 = arith.constant 0 : i32
      %dma_wait3A_130 = tpu.memref_slice %arg2[%dma_wait3A_128, %dma_wait3A_129] : memref<100000x128xf32, #tpu.memory_space<hbm>> -> memref<100000x128xf32, #tpu.memory_space<hbm>>
      tpu.wait_indirect_dma semaphore(%arg7 : memref<!tpu.dma_semaphore, #tpu.memory_space<semaphore_mem>>) src(%dma_wait3A_130 : memref<100000x128xf32, #tpu.memory_space<hbm>>) dst(%dma_wait3A_125 : memref<472x128xf32, #tpu.memory_space<vmem>>)
      %add3A_131 = arith.constant 944 : i32
      %add3A_132 = arith.addi %mul3A_7, %add3A_131 : i32
      %dma_start3A_133 = arith.constant 0 : i32
      %dma_start3A_134 = arith.constant 0 : i32
      %dma_start3A_135 = arith.constant 0 : i32
      %dma_start3A_136 = tpu.memref_slice %arg6[%dma_start3A_133, %dma_start3A_134, %dma_start3A_135] : memref<2x472x128xf32, #tpu.memory_space<vmem>> -> memref<1x472x128xf32, #tpu.memory_space<vmem>>
      %dma_start3A_137 = tpu.memref_squeeze %dma_start3A_136 : memref<1x472x128xf32, #tpu.memory_space<vmem>> -> memref<472x128xf32, #tpu.memory_space<vmem>>
      %dma_start3A_138 = arith.constant 0 : i32
      %dma_start3A_139 = tpu.memref_slice %arg4[%add3A_132, %dma_start3A_138] : memref<100352x128xf32, #tpu.memory_space<hbm>> -> memref<472x128xf32, #tpu.memory_space<hbm>>
      %dma_start3A_140 = arith.constant 0 : i32
      %dma_start3A_141 = tpu.memref_slice %arg4[%add3A_132, %dma_start3A_140] : memref<100352x128xf32, #tpu.memory_space<hbm>> -> memref<472x128xf32, #tpu.memory_space<hbm>>
      %dma_start3A_142 = arith.constant 0 : i32
      %dma_start3A_143 = arith.constant 0 : i32
      %dma_start3A_144 = tpu.memref_slice %arg6[%dma_start3A_133, %dma_start3A_142, %dma_start3A_143] : memref<2x472x128xf32, #tpu.memory_space<vmem>> -> memref<1x472x128xf32, #tpu.memory_space<vmem>>
      %dma_start3A_145 = tpu.memref_squeeze %dma_start3A_144 : memref<1x472x128xf32, #tpu.memory_space<vmem>> -> memref<472x128xf32, #tpu.memory_space<vmem>>
      tpu.enqueue_dma source(%dma_start3A_145 : memref<472x128xf32, #tpu.memory_space<vmem>>) target(%dma_start3A_141 : memref<472x128xf32, #tpu.memory_space<hbm>>) target_semaphore(%arg8 : memref<!tpu.dma_semaphore, #tpu.memory_space<semaphore_mem>>)
      %dma_wait3A_146 = arith.constant 0 : i32
      %dma_wait3A_147 = arith.constant 0 : i32
      %dma_wait3A_148 = arith.constant 0 : i32
      %dma_wait3A_149 = tpu.memref_slice %arg6[%dma_wait3A_146, %dma_wait3A_147, %dma_wait3A_148] : memref<2x472x128xf32, #tpu.memory_space<vmem>> -> memref<1x472x128xf32, #tpu.memory_space<vmem>>
      %dma_wait3A_150 = tpu.memref_squeeze %dma_wait3A_149 : memref<1x472x128xf32, #tpu.memory_space<vmem>> -> memref<472x128xf32, #tpu.memory_space<vmem>>
      %dma_wait3A_151 = arith.constant 0 : i32
      %dma_wait3A_152 = tpu.memref_slice %arg4[%add3A_132, %dma_wait3A_151] : memref<100352x128xf32, #tpu.memory_space<hbm>> -> memref<472x128xf32, #tpu.memory_space<hbm>>
      %dma_wait3A_153 = arith.constant 0 : i32
      %dma_wait3A_154 = tpu.memref_slice %arg4[%add3A_132, %dma_wait3A_153] : memref<100352x128xf32, #tpu.memory_space<hbm>> -> memref<472x128xf32, #tpu.memory_space<hbm>>
      %dma_wait3A_155 = arith.constant 0 : i32
      %dma_wait3A_156 = arith.constant 0 : i32
      %dma_wait3A_157 = tpu.memref_slice %arg6[%dma_wait3A_146, %dma_wait3A_155, %dma_wait3A_156] : memref<2x472x128xf32, #tpu.memory_space<vmem>> -> memref<1x472x128xf32, #tpu.memory_space<vmem>>
      %dma_wait3A_158 = tpu.memref_squeeze %dma_wait3A_157 : memref<1x472x128xf32, #tpu.memory_space<vmem>> -> memref<472x128xf32, #tpu.memory_space<vmem>>
      tpu.wait_dma2 semaphore(%arg8 : memref<!tpu.dma_semaphore, #tpu.memory_space<semaphore_mem>>) src(%dma_wait3A_158 : memref<472x128xf32, #tpu.memory_space<vmem>>) dst(%dma_wait3A_154 : memref<472x128xf32, #tpu.memory_space<hbm>>)
      %dma_start3A_159 = arith.constant 0 : i32
      %dma_start3A_160 = arith.constant 0 : i32
      %dma_start3A_161 = arith.constant 0 : i32
      %dma_start3A_162 = tpu.memref_slice %arg6[%dma_start3A_159, %dma_start3A_160, %dma_start3A_161] : memref<2x472x128xf32, #tpu.memory_space<vmem>> -> memref<1x472x128xf32, #tpu.memory_space<vmem>>
      %dma_start3A_163 = tpu.memref_squeeze %dma_start3A_162 : memref<1x472x128xf32, #tpu.memory_space<vmem>> -> memref<472x128xf32, #tpu.memory_space<vmem>>
      %dma_start3A_164 = arith.constant 1888 : i32
      %dma_start3A_165 = tpu.memref_slice %arg5[%dma_start3A_164] : memref<3776xi32, #tpu.memory_space<vmem>> -> memref<472xi32, #tpu.memory_space<vmem>>
      %dma_start3A_166 = arith.constant 0 : i32
      %dma_start3A_167 = arith.constant 0 : i32
      %dma_start3A_168 = tpu.memref_slice %arg2[%dma_start3A_166, %dma_start3A_167] : memref<100000x128xf32, #tpu.memory_space<hbm>> -> memref<100000x128xf32, #tpu.memory_space<hbm>>
      tpu.enqueue_indirect_dma source(%dma_start3A_168 : memref<100000x128xf32, #tpu.memory_space<hbm>>) target(%dma_start3A_163 : memref<472x128xf32, #tpu.memory_space<vmem>>) offsets(%dma_start3A_165 : memref<472xi32, #tpu.memory_space<vmem>>) semaphore(%arg7 : memref<!tpu.dma_semaphore, #tpu.memory_space<semaphore_mem>>)
      %dma_wait3A_169 = arith.constant 1 : i32
      %dma_wait3A_170 = arith.constant 0 : i32
      %dma_wait3A_171 = arith.constant 0 : i32
      %dma_wait3A_172 = tpu.memref_slice %arg6[%dma_wait3A_169, %dma_wait3A_170, %dma_wait3A_171] : memref<2x472x128xf32, #tpu.memory_space<vmem>> -> memref<1x472x128xf32, #tpu.memory_space<vmem>>
      %dma_wait3A_173 = tpu.memref_squeeze %dma_wait3A_172 : memref<1x472x128xf32, #tpu.memory_space<vmem>> -> memref<472x128xf32, #tpu.memory_space<vmem>>
      %dma_wait3A_174 = arith.constant 1416 : i32
      %dma_wait3A_175 = tpu.memref_slice %arg5[%dma_wait3A_174] : memref<3776xi32, #tpu.memory_space<vmem>> -> memref<472xi32, #tpu.memory_space<vmem>>
      %dma_wait3A_176 = arith.constant 0 : i32
      %dma_wait3A_177 = arith.constant 0 : i32
      %dma_wait3A_178 = tpu.memref_slice %arg2[%dma_wait3A_176, %dma_wait3A_177] : memref<100000x128xf32, #tpu.memory_space<hbm>> -> memref<100000x128xf32, #tpu.memory_space<hbm>>
      tpu.wait_indirect_dma semaphore(%arg7 : memref<!tpu.dma_semaphore, #tpu.memory_space<semaphore_mem>>) src(%dma_wait3A_178 : memref<100000x128xf32, #tpu.memory_space<hbm>>) dst(%dma_wait3A_173 : memref<472x128xf32, #tpu.memory_space<vmem>>)
      %add3A_179 = arith.constant 1416 : i32
      %add3A_180 = arith.addi %mul3A_7, %add3A_179 : i32
      %dma_start3A_181 = arith.constant 1 : i32
      %dma_start3A_182 = arith.constant 0 : i32
      %dma_start3A_183 = arith.constant 0 : i32
      %dma_start3A_184 = tpu.memref_slice %arg6[%dma_start3A_181, %dma_start3A_182, %dma_start3A_183] : memref<2x472x128xf32, #tpu.memory_space<vmem>> -> memref<1x472x128xf32, #tpu.memory_space<vmem>>
      %dma_start3A_185 = tpu.memref_squeeze %dma_start3A_184 : memref<1x472x128xf32, #tpu.memory_space<vmem>> -> memref<472x128xf32, #tpu.memory_space<vmem>>
      %dma_start3A_186 = arith.constant 0 : i32
      %dma_start3A_187 = tpu.memref_slice %arg4[%add3A_180, %dma_start3A_186] : memref<100352x128xf32, #tpu.memory_space<hbm>> -> memref<472x128xf32, #tpu.memory_space<hbm>>
      %dma_start3A_188 = arith.constant 0 : i32
      %dma_start3A_189 = tpu.memref_slice %arg4[%add3A_180, %dma_start3A_188] : memref<100352x128xf32, #tpu.memory_space<hbm>> -> memref<472x128xf32, #tpu.memory_space<hbm>>
      %dma_start3A_190 = arith.constant 0 : i32
      %dma_start3A_191 = arith.constant 0 : i32
      %dma_start3A_192 = tpu.memref_slice %arg6[%dma_start3A_181, %dma_start3A_190, %dma_start3A_191] : memref<2x472x128xf32, #tpu.memory_space<vmem>> -> memref<1x472x128xf32, #tpu.memory_space<vmem>>
      %dma_start3A_193 = tpu.memref_squeeze %dma_start3A_192 : memref<1x472x128xf32, #tpu.memory_space<vmem>> -> memref<472x128xf32, #tpu.memory_space<vmem>>
      tpu.enqueue_dma source(%dma_start3A_193 : memref<472x128xf32, #tpu.memory_space<vmem>>) target(%dma_start3A_189 : memref<472x128xf32, #tpu.memory_space<hbm>>) target_semaphore(%arg8 : memref<!tpu.dma_semaphore, #tpu.memory_space<semaphore_mem>>)
      %dma_wait3A_194 = arith.constant 1 : i32
      %dma_wait3A_195 = arith.constant 0 : i32
      %dma_wait3A_196 = arith.constant 0 : i32
      %dma_wait3A_197 = tpu.memref_slice %arg6[%dma_wait3A_194, %dma_wait3A_195, %dma_wait3A_196] : memref<2x472x128xf32, #tpu.memory_space<vmem>> -> memref<1x472x128xf32, #tpu.memory_space<vmem>>
      %dma_wait3A_198 = tpu.memref_squeeze %dma_wait3A_197 : memref<1x472x128xf32, #tpu.memory_space<vmem>> -> memref<472x128xf32, #tpu.memory_space<vmem>>
      %dma_wait3A_199 = arith.constant 0 : i32
      %dma_wait3A_200 = tpu.memref_slice %arg4[%add3A_180, %dma_wait3A_199] : memref<100352x128xf32, #tpu.memory_space<hbm>> -> memref<472x128xf32, #tpu.memory_space<hbm>>
      %dma_wait3A_201 = arith.constant 0 : i32
      %dma_wait3A_202 = tpu.memref_slice %arg4[%add3A_180, %dma_wait3A_201] : memref<100352x128xf32, #tpu.memory_space<hbm>> -> memref<472x128xf32, #tpu.memory_space<hbm>>
      %dma_wait3A_203 = arith.constant 0 : i32
      %dma_wait3A_204 = arith.constant 0 : i32
      %dma_wait3A_205 = tpu.memref_slice %arg6[%dma_wait3A_194, %dma_wait3A_203, %dma_wait3A_204] : memref<2x472x128xf32, #tpu.memory_space<vmem>> -> memref<1x472x128xf32, #tpu.memory_space<vmem>>
      %dma_wait3A_206 = tpu.memref_squeeze %dma_wait3A_205 : memref<1x472x128xf32, #tpu.memory_space<vmem>> -> memref<472x128xf32, #tpu.memory_space<vmem>>
      tpu.wait_dma2 semaphore(%arg8 : memref<!tpu.dma_semaphore, #tpu.memory_space<semaphore_mem>>) src(%dma_wait3A_206 : memref<472x128xf32, #tpu.memory_space<vmem>>) dst(%dma_wait3A_202 : memref<472x128xf32, #tpu.memory_space<hbm>>)
      %dma_start3A_207 = arith.constant 1 : i32
      %dma_start3A_208 = arith.constant 0 : i32
      %dma_start3A_209 = arith.constant 0 : i32
      %dma_start3A_210 = tpu.memref_slice %arg6[%dma_start3A_207, %dma_start3A_208, %dma_start3A_209] : memref<2x472x128xf32, #tpu.memory_space<vmem>> -> memref<1x472x128xf32, #tpu.memory_space<vmem>>
      %dma_start3A_211 = tpu.memref_squeeze %dma_start3A_210 : memref<1x472x128xf32, #tpu.memory_space<vmem>> -> memref<472x128xf32, #tpu.memory_space<vmem>>
      %dma_start3A_212 = arith.constant 2360 : i32
      %dma_start3A_213 = tpu.memref_slice %arg5[%dma_start3A_212] : memref<3776xi32, #tpu.memory_space<vmem>> -> memref<472xi32, #tpu.memory_space<vmem>>
      %dma_start3A_214 = arith.constant 0 : i32
      %dma_start3A_215 = arith.constant 0 : i32
      %dma_start3A_216 = tpu.memref_slice %arg2[%dma_start3A_214, %dma_start3A_215] : memref<100000x128xf32, #tpu.memory_space<hbm>> -> memref<100000x128xf32, #tpu.memory_space<hbm>>
      tpu.enqueue_indirect_dma source(%dma_start3A_216 : memref<100000x128xf32, #tpu.memory_space<hbm>>) target(%dma_start3A_211 : memref<472x128xf32, #tpu.memory_space<vmem>>) offsets(%dma_start3A_213 : memref<472xi32, #tpu.memory_space<vmem>>) semaphore(%arg7 : memref<!tpu.dma_semaphore, #tpu.memory_space<semaphore_mem>>)
      %dma_wait3A_217 = arith.constant 0 : i32
      %dma_wait3A_218 = arith.constant 0 : i32
      %dma_wait3A_219 = arith.constant 0 : i32
      %dma_wait3A_220 = tpu.memref_slice %arg6[%dma_wait3A_217, %dma_wait3A_218, %dma_wait3A_219] : memref<2x472x128xf32, #tpu.memory_space<vmem>> -> memref<1x472x128xf32, #tpu.memory_space<vmem>>
      %dma_wait3A_221 = tpu.memref_squeeze %dma_wait3A_220 : memref<1x472x128xf32, #tpu.memory_space<vmem>> -> memref<472x128xf32, #tpu.memory_space<vmem>>
      %dma_wait3A_222 = arith.constant 1888 : i32
      %dma_wait3A_223 = tpu.memref_slice %arg5[%dma_wait3A_222] : memref<3776xi32, #tpu.memory_space<vmem>> -> memref<472xi32, #tpu.memory_space<vmem>>
      %dma_wait3A_224 = arith.constant 0 : i32
      %dma_wait3A_225 = arith.constant 0 : i32
      %dma_wait3A_226 = tpu.memref_slice %arg2[%dma_wait3A_224, %dma_wait3A_225] : memref<100000x128xf32, #tpu.memory_space<hbm>> -> memref<100000x128xf32, #tpu.memory_space<hbm>>
      tpu.wait_indirect_dma semaphore(%arg7 : memref<!tpu.dma_semaphore, #tpu.memory_space<semaphore_mem>>) src(%dma_wait3A_226 : memref<100000x128xf32, #tpu.memory_space<hbm>>) dst(%dma_wait3A_221 : memref<472x128xf32, #tpu.memory_space<vmem>>)
      %add3A_227 = arith.constant 1888 : i32
      %add3A_228 = arith.addi %mul3A_7, %add3A_227 : i32
      %dma_start3A_229 = arith.constant 0 : i32
      %dma_start3A_230 = arith.constant 0 : i32
      %dma_start3A_231 = arith.constant 0 : i32
      %dma_start3A_232 = tpu.memref_slice %arg6[%dma_start3A_229, %dma_start3A_230, %dma_start3A_231] : memref<2x472x128xf32, #tpu.memory_space<vmem>> -> memref<1x472x128xf32, #tpu.memory_space<vmem>>
      %dma_start3A_233 = tpu.memref_squeeze %dma_start3A_232 : memref<1x472x128xf32, #tpu.memory_space<vmem>> -> memref<472x128xf32, #tpu.memory_space<vmem>>
      %dma_start3A_234 = arith.constant 0 : i32
      %dma_start3A_235 = tpu.memref_slice %arg4[%add3A_228, %dma_start3A_234] : memref<100352x128xf32, #tpu.memory_space<hbm>> -> memref<472x128xf32, #tpu.memory_space<hbm>>
      %dma_start3A_236 = arith.constant 0 : i32
      %dma_start3A_237 = tpu.memref_slice %arg4[%add3A_228, %dma_start3A_236] : memref<100352x128xf32, #tpu.memory_space<hbm>> -> memref<472x128xf32, #tpu.memory_space<hbm>>
      %dma_start3A_238 = arith.constant 0 : i32
      %dma_start3A_239 = arith.constant 0 : i32
      %dma_start3A_240 = tpu.memref_slice %arg6[%dma_start3A_229, %dma_start3A_238, %dma_start3A_239] : memref<2x472x128xf32, #tpu.memory_space<vmem>> -> memref<1x472x128xf32, #tpu.memory_space<vmem>>
      %dma_start3A_241 = tpu.memref_squeeze %dma_start3A_240 : memref<1x472x128xf32, #tpu.memory_space<vmem>> -> memref<472x128xf32, #tpu.memory_space<vmem>>
      tpu.enqueue_dma source(%dma_start3A_241 : memref<472x128xf32, #tpu.memory_space<vmem>>) target(%dma_start3A_237 : memref<472x128xf32, #tpu.memory_space<hbm>>) target_semaphore(%arg8 : memref<!tpu.dma_semaphore, #tpu.memory_space<semaphore_mem>>)
      %dma_wait3A_242 = arith.constant 0 : i32
      %dma_wait3A_243 = arith.constant 0 : i32
      %dma_wait3A_244 = arith.constant 0 : i32
      %dma_wait3A_245 = tpu.memref_slice %arg6[%dma_wait3A_242, %dma_wait3A_243, %dma_wait3A_244] : memref<2x472x128xf32, #tpu.memory_space<vmem>> -> memref<1x472x128xf32, #tpu.memory_space<vmem>>
      %dma_wait3A_246 = tpu.memref_squeeze %dma_wait3A_245 : memref<1x472x128xf32, #tpu.memory_space<vmem>> -> memref<472x128xf32, #tpu.memory_space<vmem>>
      %dma_wait3A_247 = arith.constant 0 : i32
      %dma_wait3A_248 = tpu.memref_slice %arg4[%add3A_228, %dma_wait3A_247] : memref<100352x128xf32, #tpu.memory_space<hbm>> -> memref<472x128xf32, #tpu.memory_space<hbm>>
      %dma_wait3A_249 = arith.constant 0 : i32
      %dma_wait3A_250 = tpu.memref_slice %arg4[%add3A_228, %dma_wait3A_249] : memref<100352x128xf32, #tpu.memory_space<hbm>> -> memref<472x128xf32, #tpu.memory_space<hbm>>
      %dma_wait3A_251 = arith.constant 0 : i32
      %dma_wait3A_252 = arith.constant 0 : i32
      %dma_wait3A_253 = tpu.memref_slice %arg6[%dma_wait3A_242, %dma_wait3A_251, %dma_wait3A_252] : memref<2x472x128xf32, #tpu.memory_space<vmem>> -> memref<1x472x128xf32, #tpu.memory_space<vmem>>
      %dma_wait3A_254 = tpu.memref_squeeze %dma_wait3A_253 : memref<1x472x128xf32, #tpu.memory_space<vmem>> -> memref<472x128xf32, #tpu.memory_space<vmem>>
      tpu.wait_dma2 semaphore(%arg8 : memref<!tpu.dma_semaphore, #tpu.memory_space<semaphore_mem>>) src(%dma_wait3A_254 : memref<472x128xf32, #tpu.memory_space<vmem>>) dst(%dma_wait3A_250 : memref<472x128xf32, #tpu.memory_space<hbm>>)
      %dma_start3A_255 = arith.constant 0 : i32
      %dma_start3A_256 = arith.constant 0 : i32
      %dma_start3A_257 = arith.constant 0 : i32
      %dma_start3A_258 = tpu.memref_slice %arg6[%dma_start3A_255, %dma_start3A_256, %dma_start3A_257] : memref<2x472x128xf32, #tpu.memory_space<vmem>> -> memref<1x472x128xf32, #tpu.memory_space<vmem>>
      %dma_start3A_259 = tpu.memref_squeeze %dma_start3A_258 : memref<1x472x128xf32, #tpu.memory_space<vmem>> -> memref<472x128xf32, #tpu.memory_space<vmem>>
      %dma_start3A_260 = arith.constant 2832 : i32
      %dma_start3A_261 = tpu.memref_slice %arg5[%dma_start3A_260] : memref<3776xi32, #tpu.memory_space<vmem>> -> memref<472xi32, #tpu.memory_space<vmem>>
      %dma_start3A_262 = arith.constant 0 : i32
      %dma_start3A_263 = arith.constant 0 : i32
      %dma_start3A_264 = tpu.memref_slice %arg2[%dma_start3A_262, %dma_start3A_263] : memref<100000x128xf32, #tpu.memory_space<hbm>> -> memref<100000x128xf32, #tpu.memory_space<hbm>>
      tpu.enqueue_indirect_dma source(%dma_start3A_264 : memref<100000x128xf32, #tpu.memory_space<hbm>>) target(%dma_start3A_259 : memref<472x128xf32, #tpu.memory_space<vmem>>) offsets(%dma_start3A_261 : memref<472xi32, #tpu.memory_space<vmem>>) semaphore(%arg7 : memref<!tpu.dma_semaphore, #tpu.memory_space<semaphore_mem>>)
      %dma_wait3A_265 = arith.constant 1 : i32
      %dma_wait3A_266 = arith.constant 0 : i32
      %dma_wait3A_267 = arith.constant 0 : i32
      %dma_wait3A_268 = tpu.memref_slice %arg6[%dma_wait3A_265, %dma_wait3A_266, %dma_wait3A_267] : memref<2x472x128xf32, #tpu.memory_space<vmem>> -> memref<1x472x128xf32, #tpu.memory_space<vmem>>
      %dma_wait3A_269 = tpu.memref_squeeze %dma_wait3A_268 : memref<1x472x128xf32, #tpu.memory_space<vmem>> -> memref<472x128xf32, #tpu.memory_space<vmem>>
      %dma_wait3A_270 = arith.constant 2360 : i32
      %dma_wait3A_271 = tpu.memref_slice %arg5[%dma_wait3A_270] : memref<3776xi32, #tpu.memory_space<vmem>> -> memref<472xi32, #tpu.memory_space<vmem>>
      %dma_wait3A_272 = arith.constant 0 : i32
      %dma_wait3A_273 = arith.constant 0 : i32
      %dma_wait3A_274 = tpu.memref_slice %arg2[%dma_wait3A_272, %dma_wait3A_273] : memref<100000x128xf32, #tpu.memory_space<hbm>> -> memref<100000x128xf32, #tpu.memory_space<hbm>>
      tpu.wait_indirect_dma semaphore(%arg7 : memref<!tpu.dma_semaphore, #tpu.memory_space<semaphore_mem>>) src(%dma_wait3A_274 : memref<100000x128xf32, #tpu.memory_space<hbm>>) dst(%dma_wait3A_269 : memref<472x128xf32, #tpu.memory_space<vmem>>)
      %add3A_275 = arith.constant 2360 : i32
      %add3A_276 = arith.addi %mul3A_7, %add3A_275 : i32
      %dma_start3A_277 = arith.constant 1 : i32
      %dma_start3A_278 = arith.constant 0 : i32
      %dma_start3A_279 = arith.constant 0 : i32
      %dma_start3A_280 = tpu.memref_slice %arg6[%dma_start3A_277, %dma_start3A_278, %dma_start3A_279] : memref<2x472x128xf32, #tpu.memory_space<vmem>> -> memref<1x472x128xf32, #tpu.memory_space<vmem>>
      %dma_start3A_281 = tpu.memref_squeeze %dma_start3A_280 : memref<1x472x128xf32, #tpu.memory_space<vmem>> -> memref<472x128xf32, #tpu.memory_space<vmem>>
      %dma_start3A_282 = arith.constant 0 : i32
      %dma_start3A_283 = tpu.memref_slice %arg4[%add3A_276, %dma_start3A_282] : memref<100352x128xf32, #tpu.memory_space<hbm>> -> memref<472x128xf32, #tpu.memory_space<hbm>>
      %dma_start3A_284 = arith.constant 0 : i32
      %dma_start3A_285 = tpu.memref_slice %arg4[%add3A_276, %dma_start3A_284] : memref<100352x128xf32, #tpu.memory_space<hbm>> -> memref<472x128xf32, #tpu.memory_space<hbm>>
      %dma_start3A_286 = arith.constant 0 : i32
      %dma_start3A_287 = arith.constant 0 : i32
      %dma_start3A_288 = tpu.memref_slice %arg6[%dma_start3A_277, %dma_start3A_286, %dma_start3A_287] : memref<2x472x128xf32, #tpu.memory_space<vmem>> -> memref<1x472x128xf32, #tpu.memory_space<vmem>>
      %dma_start3A_289 = tpu.memref_squeeze %dma_start3A_288 : memref<1x472x128xf32, #tpu.memory_space<vmem>> -> memref<472x128xf32, #tpu.memory_space<vmem>>
      tpu.enqueue_dma source(%dma_start3A_289 : memref<472x128xf32, #tpu.memory_space<vmem>>) target(%dma_start3A_285 : memref<472x128xf32, #tpu.memory_space<hbm>>) target_semaphore(%arg8 : memref<!tpu.dma_semaphore, #tpu.memory_space<semaphore_mem>>)
      %dma_wait3A_290 = arith.constant 1 : i32
      %dma_wait3A_291 = arith.constant 0 : i32
      %dma_wait3A_292 = arith.constant 0 : i32
      %dma_wait3A_293 = tpu.memref_slice %arg6[%dma_wait3A_290, %dma_wait3A_291, %dma_wait3A_292] : memref<2x472x128xf32, #tpu.memory_space<vmem>> -> memref<1x472x128xf32, #tpu.memory_space<vmem>>
      %dma_wait3A_294 = tpu.memref_squeeze %dma_wait3A_293 : memref<1x472x128xf32, #tpu.memory_space<vmem>> -> memref<472x128xf32, #tpu.memory_space<vmem>>
      %dma_wait3A_295 = arith.constant 0 : i32
      %dma_wait3A_296 = tpu.memref_slice %arg4[%add3A_276, %dma_wait3A_295] : memref<100352x128xf32, #tpu.memory_space<hbm>> -> memref<472x128xf32, #tpu.memory_space<hbm>>
      %dma_wait3A_297 = arith.constant 0 : i32
      %dma_wait3A_298 = tpu.memref_slice %arg4[%add3A_276, %dma_wait3A_297] : memref<100352x128xf32, #tpu.memory_space<hbm>> -> memref<472x128xf32, #tpu.memory_space<hbm>>
      %dma_wait3A_299 = arith.constant 0 : i32
      %dma_wait3A_300 = arith.constant 0 : i32
      %dma_wait3A_301 = tpu.memref_slice %arg6[%dma_wait3A_290, %dma_wait3A_299, %dma_wait3A_300] : memref<2x472x128xf32, #tpu.memory_space<vmem>> -> memref<1x472x128xf32, #tpu.memory_space<vmem>>
      %dma_wait3A_302 = tpu.memref_squeeze %dma_wait3A_301 : memref<1x472x128xf32, #tpu.memory_space<vmem>> -> memref<472x128xf32, #tpu.memory_space<vmem>>
      tpu.wait_dma2 semaphore(%arg8 : memref<!tpu.dma_semaphore, #tpu.memory_space<semaphore_mem>>) src(%dma_wait3A_302 : memref<472x128xf32, #tpu.memory_space<vmem>>) dst(%dma_wait3A_298 : memref<472x128xf32, #tpu.memory_space<hbm>>)
      %dma_start3A_303 = arith.constant 1 : i32
      %dma_start3A_304 = arith.constant 0 : i32
      %dma_start3A_305 = arith.constant 0 : i32
      %dma_start3A_306 = tpu.memref_slice %arg6[%dma_start3A_303, %dma_start3A_304, %dma_start3A_305] : memref<2x472x128xf32, #tpu.memory_space<vmem>> -> memref<1x472x128xf32, #tpu.memory_space<vmem>>
      %dma_start3A_307 = tpu.memref_squeeze %dma_start3A_306 : memref<1x472x128xf32, #tpu.memory_space<vmem>> -> memref<472x128xf32, #tpu.memory_space<vmem>>
      %dma_start3A_308 = arith.constant 3304 : i32
      %dma_start3A_309 = tpu.memref_slice %arg5[%dma_start3A_308] : memref<3776xi32, #tpu.memory_space<vmem>> -> memref<472xi32, #tpu.memory_space<vmem>>
      %dma_start3A_310 = arith.constant 0 : i32
      %dma_start3A_311 = arith.constant 0 : i32
      %dma_start3A_312 = tpu.memref_slice %arg2[%dma_start3A_310, %dma_start3A_311] : memref<100000x128xf32, #tpu.memory_space<hbm>> -> memref<100000x128xf32, #tpu.memory_space<hbm>>
      tpu.enqueue_indirect_dma source(%dma_start3A_312 : memref<100000x128xf32, #tpu.memory_space<hbm>>) target(%dma_start3A_307 : memref<472x128xf32, #tpu.memory_space<vmem>>) offsets(%dma_start3A_309 : memref<472xi32, #tpu.memory_space<vmem>>) semaphore(%arg7 : memref<!tpu.dma_semaphore, #tpu.memory_space<semaphore_mem>>)
      %dma_wait3A_313 = arith.constant 0 : i32
      %dma_wait3A_314 = arith.constant 0 : i32
      %dma_wait3A_315 = arith.constant 0 : i32
      %dma_wait3A_316 = tpu.memref_slice %arg6[%dma_wait3A_313, %dma_wait3A_314, %dma_wait3A_315] : memref<2x472x128xf32, #tpu.memory_space<vmem>> -> memref<1x472x128xf32, #tpu.memory_space<vmem>>
      %dma_wait3A_317 = tpu.memref_squeeze %dma_wait3A_316 : memref<1x472x128xf32, #tpu.memory_space<vmem>> -> memref<472x128xf32, #tpu.memory_space<vmem>>
      %dma_wait3A_318 = arith.constant 2832 : i32
      %dma_wait3A_319 = tpu.memref_slice %arg5[%dma_wait3A_318] : memref<3776xi32, #tpu.memory_space<vmem>> -> memref<472xi32, #tpu.memory_space<vmem>>
      %dma_wait3A_320 = arith.constant 0 : i32
      %dma_wait3A_321 = arith.constant 0 : i32
      %dma_wait3A_322 = tpu.memref_slice %arg2[%dma_wait3A_320, %dma_wait3A_321] : memref<100000x128xf32, #tpu.memory_space<hbm>> -> memref<100000x128xf32, #tpu.memory_space<hbm>>
      tpu.wait_indirect_dma semaphore(%arg7 : memref<!tpu.dma_semaphore, #tpu.memory_space<semaphore_mem>>) src(%dma_wait3A_322 : memref<100000x128xf32, #tpu.memory_space<hbm>>) dst(%dma_wait3A_317 : memref<472x128xf32, #tpu.memory_space<vmem>>)
      %add3A_323 = arith.constant 2832 : i32
      %add3A_324 = arith.addi %mul3A_7, %add3A_323 : i32
      %dma_start3A_325 = arith.constant 0 : i32
      %dma_start3A_326 = arith.constant 0 : i32
      %dma_start3A_327 = arith.constant 0 : i32
      %dma_start3A_328 = tpu.memref_slice %arg6[%dma_start3A_325, %dma_start3A_326, %dma_start3A_327] : memref<2x472x128xf32, #tpu.memory_space<vmem>> -> memref<1x472x128xf32, #tpu.memory_space<vmem>>
      %dma_start3A_329 = tpu.memref_squeeze %dma_start3A_328 : memref<1x472x128xf32, #tpu.memory_space<vmem>> -> memref<472x128xf32, #tpu.memory_space<vmem>>
      %dma_start3A_330 = arith.constant 0 : i32
      %dma_start3A_331 = tpu.memref_slice %arg4[%add3A_324, %dma_start3A_330] : memref<100352x128xf32, #tpu.memory_space<hbm>> -> memref<472x128xf32, #tpu.memory_space<hbm>>
      %dma_start3A_332 = arith.constant 0 : i32
      %dma_start3A_333 = tpu.memref_slice %arg4[%add3A_324, %dma_start3A_332] : memref<100352x128xf32, #tpu.memory_space<hbm>> -> memref<472x128xf32, #tpu.memory_space<hbm>>
      %dma_start3A_334 = arith.constant 0 : i32
      %dma_start3A_335 = arith.constant 0 : i32
      %dma_start3A_336 = tpu.memref_slice %arg6[%dma_start3A_325, %dma_start3A_334, %dma_start3A_335] : memref<2x472x128xf32, #tpu.memory_space<vmem>> -> memref<1x472x128xf32, #tpu.memory_space<vmem>>
      %dma_start3A_337 = tpu.memref_squeeze %dma_start3A_336 : memref<1x472x128xf32, #tpu.memory_space<vmem>> -> memref<472x128xf32, #tpu.memory_space<vmem>>
      tpu.enqueue_dma source(%dma_start3A_337 : memref<472x128xf32, #tpu.memory_space<vmem>>) target(%dma_start3A_333 : memref<472x128xf32, #tpu.memory_space<hbm>>) target_semaphore(%arg8 : memref<!tpu.dma_semaphore, #tpu.memory_space<semaphore_mem>>)
      %dma_wait3A_338 = arith.constant 1 : i32
      %dma_wait3A_339 = arith.constant 0 : i32
      %dma_wait3A_340 = arith.constant 0 : i32
      %dma_wait3A_341 = tpu.memref_slice %arg6[%dma_wait3A_338, %dma_wait3A_339, %dma_wait3A_340] : memref<2x472x128xf32, #tpu.memory_space<vmem>> -> memref<1x472x128xf32, #tpu.memory_space<vmem>>
      %dma_wait3A_342 = tpu.memref_squeeze %dma_wait3A_341 : memref<1x472x128xf32, #tpu.memory_space<vmem>> -> memref<472x128xf32, #tpu.memory_space<vmem>>
      %dma_wait3A_343 = arith.constant 3304 : i32
      %dma_wait3A_344 = tpu.memref_slice %arg5[%dma_wait3A_343] : memref<3776xi32, #tpu.memory_space<vmem>> -> memref<472xi32, #tpu.memory_space<vmem>>
      %dma_wait3A_345 = arith.constant 0 : i32
      %dma_wait3A_346 = arith.constant 0 : i32
      %dma_wait3A_347 = tpu.memref_slice %arg2[%dma_wait3A_345, %dma_wait3A_346] : memref<100000x128xf32, #tpu.memory_space<hbm>> -> memref<100000x128xf32, #tpu.memory_space<hbm>>
      tpu.wait_indirect_dma semaphore(%arg7 : memref<!tpu.dma_semaphore, #tpu.memory_space<semaphore_mem>>) src(%dma_wait3A_347 : memref<100000x128xf32, #tpu.memory_space<hbm>>) dst(%dma_wait3A_342 : memref<472x128xf32, #tpu.memory_space<vmem>>)
      %add3A_348 = arith.constant 3304 : i32
      %add3A_349 = arith.addi %mul3A_7, %add3A_348 : i32
      %dma_start3A_350 = arith.constant 1 : i32
      %dma_start3A_351 = arith.constant 0 : i32
      %dma_start3A_352 = arith.constant 0 : i32
      %dma_start3A_353 = tpu.memref_slice %arg6[%dma_start3A_350, %dma_start3A_351, %dma_start3A_352] : memref<2x472x128xf32, #tpu.memory_space<vmem>> -> memref<1x472x128xf32, #tpu.memory_space<vmem>>
      %dma_start3A_354 = tpu.memref_squeeze %dma_start3A_353 : memref<1x472x128xf32, #tpu.memory_space<vmem>> -> memref<472x128xf32, #tpu.memory_space<vmem>>
      %dma_start3A_355 = arith.constant 0 : i32
      %dma_start3A_356 = tpu.memref_slice %arg4[%add3A_349, %dma_start3A_355] : memref<100352x128xf32, #tpu.memory_space<hbm>> -> memref<472x128xf32, #tpu.memory_space<hbm>>
      %dma_start3A_357 = arith.constant 0 : i32
      %dma_start3A_358 = tpu.memref_slice %arg4[%add3A_349, %dma_start3A_357] : memref<100352x128xf32, #tpu.memory_space<hbm>> -> memref<472x128xf32, #tpu.memory_space<hbm>>
      %dma_start3A_359 = arith.constant 0 : i32
      %dma_start3A_360 = arith.constant 0 : i32
      %dma_start3A_361 = tpu.memref_slice %arg6[%dma_start3A_350, %dma_start3A_359, %dma_start3A_360] : memref<2x472x128xf32, #tpu.memory_space<vmem>> -> memref<1x472x128xf32, #tpu.memory_space<vmem>>
      %dma_start3A_362 = tpu.memref_squeeze %dma_start3A_361 : memref<1x472x128xf32, #tpu.memory_space<vmem>> -> memref<472x128xf32, #tpu.memory_space<vmem>>
      tpu.enqueue_dma source(%dma_start3A_362 : memref<472x128xf32, #tpu.memory_space<vmem>>) target(%dma_start3A_358 : memref<472x128xf32, #tpu.memory_space<hbm>>) target_semaphore(%arg8 : memref<!tpu.dma_semaphore, #tpu.memory_space<semaphore_mem>>)
      %dma_wait3A_363 = arith.constant 0 : i32
      %dma_wait3A_364 = arith.constant 0 : i32
      %dma_wait3A_365 = arith.constant 0 : i32
      %dma_wait3A_366 = tpu.memref_slice %arg6[%dma_wait3A_363, %dma_wait3A_364, %dma_wait3A_365] : memref<2x472x128xf32, #tpu.memory_space<vmem>> -> memref<1x472x128xf32, #tpu.memory_space<vmem>>
      %dma_wait3A_367 = tpu.memref_squeeze %dma_wait3A_366 : memref<1x472x128xf32, #tpu.memory_space<vmem>> -> memref<472x128xf32, #tpu.memory_space<vmem>>
      %dma_wait3A_368 = arith.constant 0 : i32
      %dma_wait3A_369 = tpu.memref_slice %arg4[%add3A_324, %dma_wait3A_368] : memref<100352x128xf32, #tpu.memory_space<hbm>> -> memref<472x128xf32, #tpu.memory_space<hbm>>
      %dma_wait3A_370 = arith.constant 0 : i32
      %dma_wait3A_371 = tpu.memref_slice %arg4[%add3A_324, %dma_wait3A_370] : memref<100352x128xf32, #tpu.memory_space<hbm>> -> memref<472x128xf32, #tpu.memory_space<hbm>>
      %dma_wait3A_372 = arith.constant 0 : i32
      %dma_wait3A_373 = arith.constant 0 : i32
      %dma_wait3A_374 = tpu.memref_slice %arg6[%dma_wait3A_363, %dma_wait3A_372, %dma_wait3A_373] : memref<2x472x128xf32, #tpu.memory_space<vmem>> -> memref<1x472x128xf32, #tpu.memory_space<vmem>>
      %dma_wait3A_375 = tpu.memref_squeeze %dma_wait3A_374 : memref<1x472x128xf32, #tpu.memory_space<vmem>> -> memref<472x128xf32, #tpu.memory_space<vmem>>
      tpu.wait_dma2 semaphore(%arg8 : memref<!tpu.dma_semaphore, #tpu.memory_space<semaphore_mem>>) src(%dma_wait3A_375 : memref<472x128xf32, #tpu.memory_space<vmem>>) dst(%dma_wait3A_371 : memref<472x128xf32, #tpu.memory_space<hbm>>)
      %dma_wait3A_376 = arith.constant 1 : i32
      %dma_wait3A_377 = arith.constant 0 : i32
      %dma_wait3A_378 = arith.constant 0 : i32
      %dma_wait3A_379 = tpu.memref_slice %arg6[%dma_wait3A_376, %dma_wait3A_377, %dma_wait3A_378] : memref<2x472x128xf32, #tpu.memory_space<vmem>> -> memref<1x472x128xf32, #tpu.memory_space<vmem>>
      %dma_wait3A_380 = tpu.memref_squeeze %dma_wait3A_379 : memref<1x472x128xf32, #tpu.memory_space<vmem>> -> memref<472x128xf32, #tpu.memory_space<vmem>>
      %dma_wait3A_381 = arith.constant 0 : i32
      %dma_wait3A_382 = tpu.memref_slice %arg4[%add3A_349, %dma_wait3A_381] : memref<100352x128xf32, #tpu.memory_space<hbm>> -> memref<472x128xf32, #tpu.memory_space<hbm>>
      %dma_wait3A_383 = arith.constant 0 : i32
      %dma_wait3A_384 = tpu.memref_slice %arg4[%add3A_349, %dma_wait3A_383] : memref<100352x128xf32, #tpu.memory_space<hbm>> -> memref<472x128xf32, #tpu.memory_space<hbm>>
      %dma_wait3A_385 = arith.constant 0 : i32
      %dma_wait3A_386 = arith.constant 0 : i32
      %dma_wait3A_387 = tpu.memref_slice %arg6[%dma_wait3A_376, %dma_wait3A_385, %dma_wait3A_386] : memref<2x472x128xf32, #tpu.memory_space<vmem>> -> memref<1x472x128xf32, #tpu.memory_space<vmem>>
      %dma_wait3A_388 = tpu.memref_squeeze %dma_wait3A_387 : memref<1x472x128xf32, #tpu.memory_space<vmem>> -> memref<472x128xf32, #tpu.memory_space<vmem>>
      tpu.wait_dma2 semaphore(%arg8 : memref<!tpu.dma_semaphore, #tpu.memory_space<semaphore_mem>>) src(%dma_wait3A_388 : memref<472x128xf32, #tpu.memory_space<vmem>>) dst(%dma_wait3A_384 : memref<472x128xf32, #tpu.memory_space<hbm>>)
    } else {
    }
    %eq3A_2 = arith.constant 1 : i32
    %eq3A_3 = arith.cmpi eq, %arg0, %eq3A_2 : i32
    %convert_element_type3A_4 = arith.extui %eq3A_3 : i1 to i32
    %cond3A_5 = arith.constant 0 : i32
    %cond3A_6 = arith.cmpi ne, %convert_element_type3A_4, %cond3A_5 : i32
    scf.if %cond3A_6 {
      %mul3A = arith.constant 2496 : i32
      %mul3A_7 = arith.muli %arg1, %mul3A : i32
      %add3A = arith.constant 60416 : i32
      %add3A_8 = arith.addi %add3A, %mul3A_7 : i32
      "tpu.region"() ({
        %run_scoped3A = tpu.sem_alloc : memref<!tpu.dma_semaphore, #tpu.memory_space<semaphore_mem>>
        %dma_start3A_391 = arith.constant 0 : i32
        %dma_start3A_392 = tpu.memref_slice %arg5[%dma_start3A_391] : memref<3776xi32, #tpu.memory_space<vmem>> -> memref<2496xi32, #tpu.memory_space<vmem>>
        %dma_start3A_393 = tpu.memref_slice %arg3[%add3A_8] : memref<100352xi32, #tpu.memory_space<hbm>> -> memref<2496xi32, #tpu.memory_space<hbm>>
        %dma_start3A_394 = arith.constant 0 : i32
        %dma_start3A_395 = tpu.memref_slice %arg5[%dma_start3A_394] : memref<3776xi32, #tpu.memory_space<vmem>> -> memref<2496xi32, #tpu.memory_space<vmem>>
        %dma_start3A_396 = tpu.memref_slice %arg3[%add3A_8] : memref<100352xi32, #tpu.memory_space<hbm>> -> memref<2496xi32, #tpu.memory_space<hbm>>
        tpu.enqueue_dma source(%dma_start3A_396 : memref<2496xi32, #tpu.memory_space<hbm>>) target(%dma_start3A_395 : memref<2496xi32, #tpu.memory_space<vmem>>) target_semaphore(%run_scoped3A : memref<!tpu.dma_semaphore, #tpu.memory_space<semaphore_mem>>)
        %dma_wait3A_397 = arith.constant 0 : i32
        %dma_wait3A_398 = tpu.memref_slice %arg5[%dma_wait3A_397] : memref<3776xi32, #tpu.memory_space<vmem>> -> memref<2496xi32, #tpu.memory_space<vmem>>
        %dma_wait3A_399 = tpu.memref_slice %arg3[%add3A_8] : memref<100352xi32, #tpu.memory_space<hbm>> -> memref<2496xi32, #tpu.memory_space<hbm>>
        %dma_wait3A_400 = arith.constant 0 : i32
        %dma_wait3A_401 = tpu.memref_slice %arg5[%dma_wait3A_400] : memref<3776xi32, #tpu.memory_space<vmem>> -> memref<2496xi32, #tpu.memory_space<vmem>>
        %dma_wait3A_402 = tpu.memref_slice %arg3[%add3A_8] : memref<100352xi32, #tpu.memory_space<hbm>> -> memref<2496xi32, #tpu.memory_space<hbm>>
        tpu.wait_dma2 semaphore(%run_scoped3A : memref<!tpu.dma_semaphore, #tpu.memory_space<semaphore_mem>>) src(%dma_wait3A_402 : memref<2496xi32, #tpu.memory_space<hbm>>) dst(%dma_wait3A_401 : memref<2496xi32, #tpu.memory_space<vmem>>)
        tpu.yield
      }) : () -> ()
      %dma_start3A = arith.constant 0 : i32
      %dma_start3A_9 = arith.constant 0 : i32
      %dma_start3A_10 = arith.constant 0 : i32
      %dma_start3A_11 = tpu.memref_slice %arg6[%dma_start3A, %dma_start3A_9, %dma_start3A_10] : memref<2x472x128xf32, #tpu.memory_space<vmem>> -> memref<1x312x128xf32, #tpu.memory_space<vmem>>
      %dma_start3A_12 = tpu.memref_squeeze %dma_start3A_11 : memref<1x312x128xf32, #tpu.memory_space<vmem>> -> memref<312x128xf32, #tpu.memory_space<vmem>>
      %dma_start3A_13 = arith.constant 0 : i32
      %dma_start3A_14 = tpu.memref_slice %arg5[%dma_start3A_13] : memref<3776xi32, #tpu.memory_space<vmem>> -> memref<312xi32, #tpu.memory_space<vmem>>
      %dma_start3A_15 = arith.constant 0 : i32
      %dma_start3A_16 = arith.constant 0 : i32
      %dma_start3A_17 = tpu.memref_slice %arg2[%dma_start3A_15, %dma_start3A_16] : memref<100000x128xf32, #tpu.memory_space<hbm>> -> memref<100000x128xf32, #tpu.memory_space<hbm>>
      tpu.enqueue_indirect_dma source(%dma_start3A_17 : memref<100000x128xf32, #tpu.memory_space<hbm>>) target(%dma_start3A_12 : memref<312x128xf32, #tpu.memory_space<vmem>>) offsets(%dma_start3A_14 : memref<312xi32, #tpu.memory_space<vmem>>) semaphore(%arg7 : memref<!tpu.dma_semaphore, #tpu.memory_space<semaphore_mem>>)
      %dma_start3A_18 = arith.constant 1 : i32
      %dma_start3A_19 = arith.constant 0 : i32
      %dma_start3A_20 = arith.constant 0 : i32
      %dma_start3A_21 = tpu.memref_slice %arg6[%dma_start3A_18, %dma_start3A_19, %dma_start3A_20] : memref<2x472x128xf32, #tpu.memory_space<vmem>> -> memref<1x312x128xf32, #tpu.memory_space<vmem>>
      %dma_start3A_22 = tpu.memref_squeeze %dma_start3A_21 : memref<1x312x128xf32, #tpu.memory_space<vmem>> -> memref<312x128xf32, #tpu.memory_space<vmem>>
      %dma_start3A_23 = arith.constant 312 : i32
      %dma_start3A_24 = tpu.memref_slice %arg5[%dma_start3A_23] : memref<3776xi32, #tpu.memory_space<vmem>> -> memref<312xi32, #tpu.memory_space<vmem>>
      %dma_start3A_25 = arith.constant 0 : i32
      %dma_start3A_26 = arith.constant 0 : i32
      %dma_start3A_27 = tpu.memref_slice %arg2[%dma_start3A_25, %dma_start3A_26] : memref<100000x128xf32, #tpu.memory_space<hbm>> -> memref<100000x128xf32, #tpu.memory_space<hbm>>
      tpu.enqueue_indirect_dma source(%dma_start3A_27 : memref<100000x128xf32, #tpu.memory_space<hbm>>) target(%dma_start3A_22 : memref<312x128xf32, #tpu.memory_space<vmem>>) offsets(%dma_start3A_24 : memref<312xi32, #tpu.memory_space<vmem>>) semaphore(%arg7 : memref<!tpu.dma_semaphore, #tpu.memory_space<semaphore_mem>>)
      %dma_wait3A = arith.constant 0 : i32
      %dma_wait3A_28 = arith.constant 0 : i32
      %dma_wait3A_29 = arith.constant 0 : i32
      %dma_wait3A_30 = tpu.memref_slice %arg6[%dma_wait3A, %dma_wait3A_28, %dma_wait3A_29] : memref<2x472x128xf32, #tpu.memory_space<vmem>> -> memref<1x312x128xf32, #tpu.memory_space<vmem>>
      %dma_wait3A_31 = tpu.memref_squeeze %dma_wait3A_30 : memref<1x312x128xf32, #tpu.memory_space<vmem>> -> memref<312x128xf32, #tpu.memory_space<vmem>>
      %dma_wait3A_32 = arith.constant 0 : i32
      %dma_wait3A_33 = tpu.memref_slice %arg5[%dma_wait3A_32] : memref<3776xi32, #tpu.memory_space<vmem>> -> memref<312xi32, #tpu.memory_space<vmem>>
      %dma_wait3A_34 = arith.constant 0 : i32
      %dma_wait3A_35 = arith.constant 0 : i32
      %dma_wait3A_36 = tpu.memref_slice %arg2[%dma_wait3A_34, %dma_wait3A_35] : memref<100000x128xf32, #tpu.memory_space<hbm>> -> memref<100000x128xf32, #tpu.memory_space<hbm>>
      tpu.wait_indirect_dma semaphore(%arg7 : memref<!tpu.dma_semaphore, #tpu.memory_space<semaphore_mem>>) src(%dma_wait3A_36 : memref<100000x128xf32, #tpu.memory_space<hbm>>) dst(%dma_wait3A_31 : memref<312x128xf32, #tpu.memory_space<vmem>>)
      %add3A_37 = arith.constant 0 : i32
      %add3A_38 = arith.addi %add3A_8, %add3A_37 : i32
      %dma_start3A_39 = arith.constant 0 : i32
      %dma_start3A_40 = arith.constant 0 : i32
      %dma_start3A_41 = arith.constant 0 : i32
      %dma_start3A_42 = tpu.memref_slice %arg6[%dma_start3A_39, %dma_start3A_40, %dma_start3A_41] : memref<2x472x128xf32, #tpu.memory_space<vmem>> -> memref<1x312x128xf32, #tpu.memory_space<vmem>>
      %dma_start3A_43 = tpu.memref_squeeze %dma_start3A_42 : memref<1x312x128xf32, #tpu.memory_space<vmem>> -> memref<312x128xf32, #tpu.memory_space<vmem>>
      %dma_start3A_44 = arith.constant 0 : i32
      %dma_start3A_45 = tpu.memref_slice %arg4[%add3A_38, %dma_start3A_44] : memref<100352x128xf32, #tpu.memory_space<hbm>> -> memref<312x128xf32, #tpu.memory_space<hbm>>
      %dma_start3A_46 = arith.constant 0 : i32
      %dma_start3A_47 = tpu.memref_slice %arg4[%add3A_38, %dma_start3A_46] : memref<100352x128xf32, #tpu.memory_space<hbm>> -> memref<312x128xf32, #tpu.memory_space<hbm>>
      %dma_start3A_48 = arith.constant 0 : i32
      %dma_start3A_49 = arith.constant 0 : i32
      %dma_start3A_50 = tpu.memref_slice %arg6[%dma_start3A_39, %dma_start3A_48, %dma_start3A_49] : memref<2x472x128xf32, #tpu.memory_space<vmem>> -> memref<1x312x128xf32, #tpu.memory_space<vmem>>
      %dma_start3A_51 = tpu.memref_squeeze %dma_start3A_50 : memref<1x312x128xf32, #tpu.memory_space<vmem>> -> memref<312x128xf32, #tpu.memory_space<vmem>>
      tpu.enqueue_dma source(%dma_start3A_51 : memref<312x128xf32, #tpu.memory_space<vmem>>) target(%dma_start3A_47 : memref<312x128xf32, #tpu.memory_space<hbm>>) target_semaphore(%arg8 : memref<!tpu.dma_semaphore, #tpu.memory_space<semaphore_mem>>)
      %dma_wait3A_52 = arith.constant 0 : i32
      %dma_wait3A_53 = arith.constant 0 : i32
      %dma_wait3A_54 = arith.constant 0 : i32
      %dma_wait3A_55 = tpu.memref_slice %arg6[%dma_wait3A_52, %dma_wait3A_53, %dma_wait3A_54] : memref<2x472x128xf32, #tpu.memory_space<vmem>> -> memref<1x312x128xf32, #tpu.memory_space<vmem>>
      %dma_wait3A_56 = tpu.memref_squeeze %dma_wait3A_55 : memref<1x312x128xf32, #tpu.memory_space<vmem>> -> memref<312x128xf32, #tpu.memory_space<vmem>>
      %dma_wait3A_57 = arith.constant 0 : i32
      %dma_wait3A_58 = tpu.memref_slice %arg4[%add3A_38, %dma_wait3A_57] : memref<100352x128xf32, #tpu.memory_space<hbm>> -> memref<312x128xf32, #tpu.memory_space<hbm>>
      %dma_wait3A_59 = arith.constant 0 : i32
      %dma_wait3A_60 = tpu.memref_slice %arg4[%add3A_38, %dma_wait3A_59] : memref<100352x128xf32, #tpu.memory_space<hbm>> -> memref<312x128xf32, #tpu.memory_space<hbm>>
      %dma_wait3A_61 = arith.constant 0 : i32
      %dma_wait3A_62 = arith.constant 0 : i32
      %dma_wait3A_63 = tpu.memref_slice %arg6[%dma_wait3A_52, %dma_wait3A_61, %dma_wait3A_62] : memref<2x472x128xf32, #tpu.memory_space<vmem>> -> memref<1x312x128xf32, #tpu.memory_space<vmem>>
      %dma_wait3A_64 = tpu.memref_squeeze %dma_wait3A_63 : memref<1x312x128xf32, #tpu.memory_space<vmem>> -> memref<312x128xf32, #tpu.memory_space<vmem>>
      tpu.wait_dma2 semaphore(%arg8 : memref<!tpu.dma_semaphore, #tpu.memory_space<semaphore_mem>>) src(%dma_wait3A_64 : memref<312x128xf32, #tpu.memory_space<vmem>>) dst(%dma_wait3A_60 : memref<312x128xf32, #tpu.memory_space<hbm>>)
      %dma_start3A_65 = arith.constant 0 : i32
      %dma_start3A_66 = arith.constant 0 : i32
      %dma_start3A_67 = arith.constant 0 : i32
      %dma_start3A_68 = tpu.memref_slice %arg6[%dma_start3A_65, %dma_start3A_66, %dma_start3A_67] : memref<2x472x128xf32, #tpu.memory_space<vmem>> -> memref<1x312x128xf32, #tpu.memory_space<vmem>>
      %dma_start3A_69 = tpu.memref_squeeze %dma_start3A_68 : memref<1x312x128xf32, #tpu.memory_space<vmem>> -> memref<312x128xf32, #tpu.memory_space<vmem>>
      %dma_start3A_70 = arith.constant 624 : i32
      %dma_start3A_71 = tpu.memref_slice %arg5[%dma_start3A_70] : memref<3776xi32, #tpu.memory_space<vmem>> -> memref<312xi32, #tpu.memory_space<vmem>>
      %dma_start3A_72 = arith.constant 0 : i32
      %dma_start3A_73 = arith.constant 0 : i32
      %dma_start3A_74 = tpu.memref_slice %arg2[%dma_start3A_72, %dma_start3A_73] : memref<100000x128xf32, #tpu.memory_space<hbm>> -> memref<100000x128xf32, #tpu.memory_space<hbm>>
      tpu.enqueue_indirect_dma source(%dma_start3A_74 : memref<100000x128xf32, #tpu.memory_space<hbm>>) target(%dma_start3A_69 : memref<312x128xf32, #tpu.memory_space<vmem>>) offsets(%dma_start3A_71 : memref<312xi32, #tpu.memory_space<vmem>>) semaphore(%arg7 : memref<!tpu.dma_semaphore, #tpu.memory_space<semaphore_mem>>)
      %dma_wait3A_75 = arith.constant 1 : i32
      %dma_wait3A_76 = arith.constant 0 : i32
      %dma_wait3A_77 = arith.constant 0 : i32
      %dma_wait3A_78 = tpu.memref_slice %arg6[%dma_wait3A_75, %dma_wait3A_76, %dma_wait3A_77] : memref<2x472x128xf32, #tpu.memory_space<vmem>> -> memref<1x312x128xf32, #tpu.memory_space<vmem>>
      %dma_wait3A_79 = tpu.memref_squeeze %dma_wait3A_78 : memref<1x312x128xf32, #tpu.memory_space<vmem>> -> memref<312x128xf32, #tpu.memory_space<vmem>>
      %dma_wait3A_80 = arith.constant 312 : i32
      %dma_wait3A_81 = tpu.memref_slice %arg5[%dma_wait3A_80] : memref<3776xi32, #tpu.memory_space<vmem>> -> memref<312xi32, #tpu.memory_space<vmem>>
      %dma_wait3A_82 = arith.constant 0 : i32
      %dma_wait3A_83 = arith.constant 0 : i32
      %dma_wait3A_84 = tpu.memref_slice %arg2[%dma_wait3A_82, %dma_wait3A_83] : memref<100000x128xf32, #tpu.memory_space<hbm>> -> memref<100000x128xf32, #tpu.memory_space<hbm>>
      tpu.wait_indirect_dma semaphore(%arg7 : memref<!tpu.dma_semaphore, #tpu.memory_space<semaphore_mem>>) src(%dma_wait3A_84 : memref<100000x128xf32, #tpu.memory_space<hbm>>) dst(%dma_wait3A_79 : memref<312x128xf32, #tpu.memory_space<vmem>>)
      %add3A_85 = arith.constant 312 : i32
      %add3A_86 = arith.addi %add3A_8, %add3A_85 : i32
      %dma_start3A_87 = arith.constant 1 : i32
      %dma_start3A_88 = arith.constant 0 : i32
      %dma_start3A_89 = arith.constant 0 : i32
      %dma_start3A_90 = tpu.memref_slice %arg6[%dma_start3A_87, %dma_start3A_88, %dma_start3A_89] : memref<2x472x128xf32, #tpu.memory_space<vmem>> -> memref<1x312x128xf32, #tpu.memory_space<vmem>>
      %dma_start3A_91 = tpu.memref_squeeze %dma_start3A_90 : memref<1x312x128xf32, #tpu.memory_space<vmem>> -> memref<312x128xf32, #tpu.memory_space<vmem>>
      %dma_start3A_92 = arith.constant 0 : i32
      %dma_start3A_93 = tpu.memref_slice %arg4[%add3A_86, %dma_start3A_92] : memref<100352x128xf32, #tpu.memory_space<hbm>> -> memref<312x128xf32, #tpu.memory_space<hbm>>
      %dma_start3A_94 = arith.constant 0 : i32
      %dma_start3A_95 = tpu.memref_slice %arg4[%add3A_86, %dma_start3A_94] : memref<100352x128xf32, #tpu.memory_space<hbm>> -> memref<312x128xf32, #tpu.memory_space<hbm>>
      %dma_start3A_96 = arith.constant 0 : i32
      %dma_start3A_97 = arith.constant 0 : i32
      %dma_start3A_98 = tpu.memref_slice %arg6[%dma_start3A_87, %dma_start3A_96, %dma_start3A_97] : memref<2x472x128xf32, #tpu.memory_space<vmem>> -> memref<1x312x128xf32, #tpu.memory_space<vmem>>
      %dma_start3A_99 = tpu.memref_squeeze %dma_start3A_98 : memref<1x312x128xf32, #tpu.memory_space<vmem>> -> memref<312x128xf32, #tpu.memory_space<vmem>>
      tpu.enqueue_dma source(%dma_start3A_99 : memref<312x128xf32, #tpu.memory_space<vmem>>) target(%dma_start3A_95 : memref<312x128xf32, #tpu.memory_space<hbm>>) target_semaphore(%arg8 : memref<!tpu.dma_semaphore, #tpu.memory_space<semaphore_mem>>)
      %dma_wait3A_100 = arith.constant 1 : i32
      %dma_wait3A_101 = arith.constant 0 : i32
      %dma_wait3A_102 = arith.constant 0 : i32
      %dma_wait3A_103 = tpu.memref_slice %arg6[%dma_wait3A_100, %dma_wait3A_101, %dma_wait3A_102] : memref<2x472x128xf32, #tpu.memory_space<vmem>> -> memref<1x312x128xf32, #tpu.memory_space<vmem>>
      %dma_wait3A_104 = tpu.memref_squeeze %dma_wait3A_103 : memref<1x312x128xf32, #tpu.memory_space<vmem>> -> memref<312x128xf32, #tpu.memory_space<vmem>>
      %dma_wait3A_105 = arith.constant 0 : i32
      %dma_wait3A_106 = tpu.memref_slice %arg4[%add3A_86, %dma_wait3A_105] : memref<100352x128xf32, #tpu.memory_space<hbm>> -> memref<312x128xf32, #tpu.memory_space<hbm>>
      %dma_wait3A_107 = arith.constant 0 : i32
      %dma_wait3A_108 = tpu.memref_slice %arg4[%add3A_86, %dma_wait3A_107] : memref<100352x128xf32, #tpu.memory_space<hbm>> -> memref<312x128xf32, #tpu.memory_space<hbm>>
      %dma_wait3A_109 = arith.constant 0 : i32
      %dma_wait3A_110 = arith.constant 0 : i32
      %dma_wait3A_111 = tpu.memref_slice %arg6[%dma_wait3A_100, %dma_wait3A_109, %dma_wait3A_110] : memref<2x472x128xf32, #tpu.memory_space<vmem>> -> memref<1x312x128xf32, #tpu.memory_space<vmem>>
      %dma_wait3A_112 = tpu.memref_squeeze %dma_wait3A_111 : memref<1x312x128xf32, #tpu.memory_space<vmem>> -> memref<312x128xf32, #tpu.memory_space<vmem>>
      tpu.wait_dma2 semaphore(%arg8 : memref<!tpu.dma_semaphore, #tpu.memory_space<semaphore_mem>>) src(%dma_wait3A_112 : memref<312x128xf32, #tpu.memory_space<vmem>>) dst(%dma_wait3A_108 : memref<312x128xf32, #tpu.memory_space<hbm>>)
      %dma_start3A_113 = arith.constant 1 : i32
      %dma_start3A_114 = arith.constant 0 : i32
      %dma_start3A_115 = arith.constant 0 : i32
      %dma_start3A_116 = tpu.memref_slice %arg6[%dma_start3A_113, %dma_start3A_114, %dma_start3A_115] : memref<2x472x128xf32, #tpu.memory_space<vmem>> -> memref<1x312x128xf32, #tpu.memory_space<vmem>>
      %dma_start3A_117 = tpu.memref_squeeze %dma_start3A_116 : memref<1x312x128xf32, #tpu.memory_space<vmem>> -> memref<312x128xf32, #tpu.memory_space<vmem>>
      %dma_start3A_118 = arith.constant 936 : i32
      %dma_start3A_119 = tpu.memref_slice %arg5[%dma_start3A_118] : memref<3776xi32, #tpu.memory_space<vmem>> -> memref<312xi32, #tpu.memory_space<vmem>>
      %dma_start3A_120 = arith.constant 0 : i32
      %dma_start3A_121 = arith.constant 0 : i32
      %dma_start3A_122 = tpu.memref_slice %arg2[%dma_start3A_120, %dma_start3A_121] : memref<100000x128xf32, #tpu.memory_space<hbm>> -> memref<100000x128xf32, #tpu.memory_space<hbm>>
      tpu.enqueue_indirect_dma source(%dma_start3A_122 : memref<100000x128xf32, #tpu.memory_space<hbm>>) target(%dma_start3A_117 : memref<312x128xf32, #tpu.memory_space<vmem>>) offsets(%dma_start3A_119 : memref<312xi32, #tpu.memory_space<vmem>>) semaphore(%arg7 : memref<!tpu.dma_semaphore, #tpu.memory_space<semaphore_mem>>)
      %dma_wait3A_123 = arith.constant 0 : i32
      %dma_wait3A_124 = arith.constant 0 : i32
      %dma_wait3A_125 = arith.constant 0 : i32
      %dma_wait3A_126 = tpu.memref_slice %arg6[%dma_wait3A_123, %dma_wait3A_124, %dma_wait3A_125] : memref<2x472x128xf32, #tpu.memory_space<vmem>> -> memref<1x312x128xf32, #tpu.memory_space<vmem>>
      %dma_wait3A_127 = tpu.memref_squeeze %dma_wait3A_126 : memref<1x312x128xf32, #tpu.memory_space<vmem>> -> memref<312x128xf32, #tpu.memory_space<vmem>>
      %dma_wait3A_128 = arith.constant 624 : i32
      %dma_wait3A_129 = tpu.memref_slice %arg5[%dma_wait3A_128] : memref<3776xi32, #tpu.memory_space<vmem>> -> memref<312xi32, #tpu.memory_space<vmem>>
      %dma_wait3A_130 = arith.constant 0 : i32
      %dma_wait3A_131 = arith.constant 0 : i32
      %dma_wait3A_132 = tpu.memref_slice %arg2[%dma_wait3A_130, %dma_wait3A_131] : memref<100000x128xf32, #tpu.memory_space<hbm>> -> memref<100000x128xf32, #tpu.memory_space<hbm>>
      tpu.wait_indirect_dma semaphore(%arg7 : memref<!tpu.dma_semaphore, #tpu.memory_space<semaphore_mem>>) src(%dma_wait3A_132 : memref<100000x128xf32, #tpu.memory_space<hbm>>) dst(%dma_wait3A_127 : memref<312x128xf32, #tpu.memory_space<vmem>>)
      %add3A_133 = arith.constant 624 : i32
      %add3A_134 = arith.addi %add3A_8, %add3A_133 : i32
      %dma_start3A_135 = arith.constant 0 : i32
      %dma_start3A_136 = arith.constant 0 : i32
      %dma_start3A_137 = arith.constant 0 : i32
      %dma_start3A_138 = tpu.memref_slice %arg6[%dma_start3A_135, %dma_start3A_136, %dma_start3A_137] : memref<2x472x128xf32, #tpu.memory_space<vmem>> -> memref<1x312x128xf32, #tpu.memory_space<vmem>>
      %dma_start3A_139 = tpu.memref_squeeze %dma_start3A_138 : memref<1x312x128xf32, #tpu.memory_space<vmem>> -> memref<312x128xf32, #tpu.memory_space<vmem>>
      %dma_start3A_140 = arith.constant 0 : i32
      %dma_start3A_141 = tpu.memref_slice %arg4[%add3A_134, %dma_start3A_140] : memref<100352x128xf32, #tpu.memory_space<hbm>> -> memref<312x128xf32, #tpu.memory_space<hbm>>
      %dma_start3A_142 = arith.constant 0 : i32
      %dma_start3A_143 = tpu.memref_slice %arg4[%add3A_134, %dma_start3A_142] : memref<100352x128xf32, #tpu.memory_space<hbm>> -> memref<312x128xf32, #tpu.memory_space<hbm>>
      %dma_start3A_144 = arith.constant 0 : i32
      %dma_start3A_145 = arith.constant 0 : i32
      %dma_start3A_146 = tpu.memref_slice %arg6[%dma_start3A_135, %dma_start3A_144, %dma_start3A_145] : memref<2x472x128xf32, #tpu.memory_space<vmem>> -> memref<1x312x128xf32, #tpu.memory_space<vmem>>
      %dma_start3A_147 = tpu.memref_squeeze %dma_start3A_146 : memref<1x312x128xf32, #tpu.memory_space<vmem>> -> memref<312x128xf32, #tpu.memory_space<vmem>>
      tpu.enqueue_dma source(%dma_start3A_147 : memref<312x128xf32, #tpu.memory_space<vmem>>) target(%dma_start3A_143 : memref<312x128xf32, #tpu.memory_space<hbm>>) target_semaphore(%arg8 : memref<!tpu.dma_semaphore, #tpu.memory_space<semaphore_mem>>)
      %dma_wait3A_148 = arith.constant 0 : i32
      %dma_wait3A_149 = arith.constant 0 : i32
      %dma_wait3A_150 = arith.constant 0 : i32
      %dma_wait3A_151 = tpu.memref_slice %arg6[%dma_wait3A_148, %dma_wait3A_149, %dma_wait3A_150] : memref<2x472x128xf32, #tpu.memory_space<vmem>> -> memref<1x312x128xf32, #tpu.memory_space<vmem>>
      %dma_wait3A_152 = tpu.memref_squeeze %dma_wait3A_151 : memref<1x312x128xf32, #tpu.memory_space<vmem>> -> memref<312x128xf32, #tpu.memory_space<vmem>>
      %dma_wait3A_153 = arith.constant 0 : i32
      %dma_wait3A_154 = tpu.memref_slice %arg4[%add3A_134, %dma_wait3A_153] : memref<100352x128xf32, #tpu.memory_space<hbm>> -> memref<312x128xf32, #tpu.memory_space<hbm>>
      %dma_wait3A_155 = arith.constant 0 : i32
      %dma_wait3A_156 = tpu.memref_slice %arg4[%add3A_134, %dma_wait3A_155] : memref<100352x128xf32, #tpu.memory_space<hbm>> -> memref<312x128xf32, #tpu.memory_space<hbm>>
      %dma_wait3A_157 = arith.constant 0 : i32
      %dma_wait3A_158 = arith.constant 0 : i32
      %dma_wait3A_159 = tpu.memref_slice %arg6[%dma_wait3A_148, %dma_wait3A_157, %dma_wait3A_158] : memref<2x472x128xf32, #tpu.memory_space<vmem>> -> memref<1x312x128xf32, #tpu.memory_space<vmem>>
      %dma_wait3A_160 = tpu.memref_squeeze %dma_wait3A_159 : memref<1x312x128xf32, #tpu.memory_space<vmem>> -> memref<312x128xf32, #tpu.memory_space<vmem>>
      tpu.wait_dma2 semaphore(%arg8 : memref<!tpu.dma_semaphore, #tpu.memory_space<semaphore_mem>>) src(%dma_wait3A_160 : memref<312x128xf32, #tpu.memory_space<vmem>>) dst(%dma_wait3A_156 : memref<312x128xf32, #tpu.memory_space<hbm>>)
      %dma_start3A_161 = arith.constant 0 : i32
      %dma_start3A_162 = arith.constant 0 : i32
      %dma_start3A_163 = arith.constant 0 : i32
      %dma_start3A_164 = tpu.memref_slice %arg6[%dma_start3A_161, %dma_start3A_162, %dma_start3A_163] : memref<2x472x128xf32, #tpu.memory_space<vmem>> -> memref<1x312x128xf32, #tpu.memory_space<vmem>>
      %dma_start3A_165 = tpu.memref_squeeze %dma_start3A_164 : memref<1x312x128xf32, #tpu.memory_space<vmem>> -> memref<312x128xf32, #tpu.memory_space<vmem>>
      %dma_start3A_166 = arith.constant 1248 : i32
      %dma_start3A_167 = tpu.memref_slice %arg5[%dma_start3A_166] : memref<3776xi32, #tpu.memory_space<vmem>> -> memref<312xi32, #tpu.memory_space<vmem>>
      %dma_start3A_168 = arith.constant 0 : i32
      %dma_start3A_169 = arith.constant 0 : i32
      %dma_start3A_170 = tpu.memref_slice %arg2[%dma_start3A_168, %dma_start3A_169] : memref<100000x128xf32, #tpu.memory_space<hbm>> -> memref<100000x128xf32, #tpu.memory_space<hbm>>
      tpu.enqueue_indirect_dma source(%dma_start3A_170 : memref<100000x128xf32, #tpu.memory_space<hbm>>) target(%dma_start3A_165 : memref<312x128xf32, #tpu.memory_space<vmem>>) offsets(%dma_start3A_167 : memref<312xi32, #tpu.memory_space<vmem>>) semaphore(%arg7 : memref<!tpu.dma_semaphore, #tpu.memory_space<semaphore_mem>>)
      %dma_wait3A_171 = arith.constant 1 : i32
      %dma_wait3A_172 = arith.constant 0 : i32
      %dma_wait3A_173 = arith.constant 0 : i32
      %dma_wait3A_174 = tpu.memref_slice %arg6[%dma_wait3A_171, %dma_wait3A_172, %dma_wait3A_173] : memref<2x472x128xf32, #tpu.memory_space<vmem>> -> memref<1x312x128xf32, #tpu.memory_space<vmem>>
      %dma_wait3A_175 = tpu.memref_squeeze %dma_wait3A_174 : memref<1x312x128xf32, #tpu.memory_space<vmem>> -> memref<312x128xf32, #tpu.memory_space<vmem>>
      %dma_wait3A_176 = arith.constant 936 : i32
      %dma_wait3A_177 = tpu.memref_slice %arg5[%dma_wait3A_176] : memref<3776xi32, #tpu.memory_space<vmem>> -> memref<312xi32, #tpu.memory_space<vmem>>
      %dma_wait3A_178 = arith.constant 0 : i32
      %dma_wait3A_179 = arith.constant 0 : i32
      %dma_wait3A_180 = tpu.memref_slice %arg2[%dma_wait3A_178, %dma_wait3A_179] : memref<100000x128xf32, #tpu.memory_space<hbm>> -> memref<100000x128xf32, #tpu.memory_space<hbm>>
      tpu.wait_indirect_dma semaphore(%arg7 : memref<!tpu.dma_semaphore, #tpu.memory_space<semaphore_mem>>) src(%dma_wait3A_180 : memref<100000x128xf32, #tpu.memory_space<hbm>>) dst(%dma_wait3A_175 : memref<312x128xf32, #tpu.memory_space<vmem>>)
      %add3A_181 = arith.constant 936 : i32
      %add3A_182 = arith.addi %add3A_8, %add3A_181 : i32
      %dma_start3A_183 = arith.constant 1 : i32
      %dma_start3A_184 = arith.constant 0 : i32
      %dma_start3A_185 = arith.constant 0 : i32
      %dma_start3A_186 = tpu.memref_slice %arg6[%dma_start3A_183, %dma_start3A_184, %dma_start3A_185] : memref<2x472x128xf32, #tpu.memory_space<vmem>> -> memref<1x312x128xf32, #tpu.memory_space<vmem>>
      %dma_start3A_187 = tpu.memref_squeeze %dma_start3A_186 : memref<1x312x128xf32, #tpu.memory_space<vmem>> -> memref<312x128xf32, #tpu.memory_space<vmem>>
      %dma_start3A_188 = arith.constant 0 : i32
      %dma_start3A_189 = tpu.memref_slice %arg4[%add3A_182, %dma_start3A_188] : memref<100352x128xf32, #tpu.memory_space<hbm>> -> memref<312x128xf32, #tpu.memory_space<hbm>>
      %dma_start3A_190 = arith.constant 0 : i32
      %dma_start3A_191 = tpu.memref_slice %arg4[%add3A_182, %dma_start3A_190] : memref<100352x128xf32, #tpu.memory_space<hbm>> -> memref<312x128xf32, #tpu.memory_space<hbm>>
      %dma_start3A_192 = arith.constant 0 : i32
      %dma_start3A_193 = arith.constant 0 : i32
      %dma_start3A_194 = tpu.memref_slice %arg6[%dma_start3A_183, %dma_start3A_192, %dma_start3A_193] : memref<2x472x128xf32, #tpu.memory_space<vmem>> -> memref<1x312x128xf32, #tpu.memory_space<vmem>>
      %dma_start3A_195 = tpu.memref_squeeze %dma_start3A_194 : memref<1x312x128xf32, #tpu.memory_space<vmem>> -> memref<312x128xf32, #tpu.memory_space<vmem>>
      tpu.enqueue_dma source(%dma_start3A_195 : memref<312x128xf32, #tpu.memory_space<vmem>>) target(%dma_start3A_191 : memref<312x128xf32, #tpu.memory_space<hbm>>) target_semaphore(%arg8 : memref<!tpu.dma_semaphore, #tpu.memory_space<semaphore_mem>>)
      %dma_wait3A_196 = arith.constant 1 : i32
      %dma_wait3A_197 = arith.constant 0 : i32
      %dma_wait3A_198 = arith.constant 0 : i32
      %dma_wait3A_199 = tpu.memref_slice %arg6[%dma_wait3A_196, %dma_wait3A_197, %dma_wait3A_198] : memref<2x472x128xf32, #tpu.memory_space<vmem>> -> memref<1x312x128xf32, #tpu.memory_space<vmem>>
      %dma_wait3A_200 = tpu.memref_squeeze %dma_wait3A_199 : memref<1x312x128xf32, #tpu.memory_space<vmem>> -> memref<312x128xf32, #tpu.memory_space<vmem>>
      %dma_wait3A_201 = arith.constant 0 : i32
      %dma_wait3A_202 = tpu.memref_slice %arg4[%add3A_182, %dma_wait3A_201] : memref<100352x128xf32, #tpu.memory_space<hbm>> -> memref<312x128xf32, #tpu.memory_space<hbm>>
      %dma_wait3A_203 = arith.constant 0 : i32
      %dma_wait3A_204 = tpu.memref_slice %arg4[%add3A_182, %dma_wait3A_203] : memref<100352x128xf32, #tpu.memory_space<hbm>> -> memref<312x128xf32, #tpu.memory_space<hbm>>
      %dma_wait3A_205 = arith.constant 0 : i32
      %dma_wait3A_206 = arith.constant 0 : i32
      %dma_wait3A_207 = tpu.memref_slice %arg6[%dma_wait3A_196, %dma_wait3A_205, %dma_wait3A_206] : memref<2x472x128xf32, #tpu.memory_space<vmem>> -> memref<1x312x128xf32, #tpu.memory_space<vmem>>
      %dma_wait3A_208 = tpu.memref_squeeze %dma_wait3A_207 : memref<1x312x128xf32, #tpu.memory_space<vmem>> -> memref<312x128xf32, #tpu.memory_space<vmem>>
      tpu.wait_dma2 semaphore(%arg8 : memref<!tpu.dma_semaphore, #tpu.memory_space<semaphore_mem>>) src(%dma_wait3A_208 : memref<312x128xf32, #tpu.memory_space<vmem>>) dst(%dma_wait3A_204 : memref<312x128xf32, #tpu.memory_space<hbm>>)
      %dma_start3A_209 = arith.constant 1 : i32
      %dma_start3A_210 = arith.constant 0 : i32
      %dma_start3A_211 = arith.constant 0 : i32
      %dma_start3A_212 = tpu.memref_slice %arg6[%dma_start3A_209, %dma_start3A_210, %dma_start3A_211] : memref<2x472x128xf32, #tpu.memory_space<vmem>> -> memref<1x312x128xf32, #tpu.memory_space<vmem>>
      %dma_start3A_213 = tpu.memref_squeeze %dma_start3A_212 : memref<1x312x128xf32, #tpu.memory_space<vmem>> -> memref<312x128xf32, #tpu.memory_space<vmem>>
      %dma_start3A_214 = arith.constant 1560 : i32
      %dma_start3A_215 = tpu.memref_slice %arg5[%dma_start3A_214] : memref<3776xi32, #tpu.memory_space<vmem>> -> memref<312xi32, #tpu.memory_space<vmem>>
      %dma_start3A_216 = arith.constant 0 : i32
      %dma_start3A_217 = arith.constant 0 : i32
      %dma_start3A_218 = tpu.memref_slice %arg2[%dma_start3A_216, %dma_start3A_217] : memref<100000x128xf32, #tpu.memory_space<hbm>> -> memref<100000x128xf32, #tpu.memory_space<hbm>>
      tpu.enqueue_indirect_dma source(%dma_start3A_218 : memref<100000x128xf32, #tpu.memory_space<hbm>>) target(%dma_start3A_213 : memref<312x128xf32, #tpu.memory_space<vmem>>) offsets(%dma_start3A_215 : memref<312xi32, #tpu.memory_space<vmem>>) semaphore(%arg7 : memref<!tpu.dma_semaphore, #tpu.memory_space<semaphore_mem>>)
      %dma_wait3A_219 = arith.constant 0 : i32
      %dma_wait3A_220 = arith.constant 0 : i32
      %dma_wait3A_221 = arith.constant 0 : i32
      %dma_wait3A_222 = tpu.memref_slice %arg6[%dma_wait3A_219, %dma_wait3A_220, %dma_wait3A_221] : memref<2x472x128xf32, #tpu.memory_space<vmem>> -> memref<1x312x128xf32, #tpu.memory_space<vmem>>
      %dma_wait3A_223 = tpu.memref_squeeze %dma_wait3A_222 : memref<1x312x128xf32, #tpu.memory_space<vmem>> -> memref<312x128xf32, #tpu.memory_space<vmem>>
      %dma_wait3A_224 = arith.constant 1248 : i32
      %dma_wait3A_225 = tpu.memref_slice %arg5[%dma_wait3A_224] : memref<3776xi32, #tpu.memory_space<vmem>> -> memref<312xi32, #tpu.memory_space<vmem>>
      %dma_wait3A_226 = arith.constant 0 : i32
      %dma_wait3A_227 = arith.constant 0 : i32
      %dma_wait3A_228 = tpu.memref_slice %arg2[%dma_wait3A_226, %dma_wait3A_227] : memref<100000x128xf32, #tpu.memory_space<hbm>> -> memref<100000x128xf32, #tpu.memory_space<hbm>>
      tpu.wait_indirect_dma semaphore(%arg7 : memref<!tpu.dma_semaphore, #tpu.memory_space<semaphore_mem>>) src(%dma_wait3A_228 : memref<100000x128xf32, #tpu.memory_space<hbm>>) dst(%dma_wait3A_223 : memref<312x128xf32, #tpu.memory_space<vmem>>)
      %add3A_229 = arith.constant 1248 : i32
      %add3A_230 = arith.addi %add3A_8, %add3A_229 : i32
      %dma_start3A_231 = arith.constant 0 : i32
      %dma_start3A_232 = arith.constant 0 : i32
      %dma_start3A_233 = arith.constant 0 : i32
      %dma_start3A_234 = tpu.memref_slice %arg6[%dma_start3A_231, %dma_start3A_232, %dma_start3A_233] : memref<2x472x128xf32, #tpu.memory_space<vmem>> -> memref<1x312x128xf32, #tpu.memory_space<vmem>>
      %dma_start3A_235 = tpu.memref_squeeze %dma_start3A_234 : memref<1x312x128xf32, #tpu.memory_space<vmem>> -> memref<312x128xf32, #tpu.memory_space<vmem>>
      %dma_start3A_236 = arith.constant 0 : i32
      %dma_start3A_237 = tpu.memref_slice %arg4[%add3A_230, %dma_start3A_236] : memref<100352x128xf32, #tpu.memory_space<hbm>> -> memref<312x128xf32, #tpu.memory_space<hbm>>
      %dma_start3A_238 = arith.constant 0 : i32
      %dma_start3A_239 = tpu.memref_slice %arg4[%add3A_230, %dma_start3A_238] : memref<100352x128xf32, #tpu.memory_space<hbm>> -> memref<312x128xf32, #tpu.memory_space<hbm>>
      %dma_start3A_240 = arith.constant 0 : i32
      %dma_start3A_241 = arith.constant 0 : i32
      %dma_start3A_242 = tpu.memref_slice %arg6[%dma_start3A_231, %dma_start3A_240, %dma_start3A_241] : memref<2x472x128xf32, #tpu.memory_space<vmem>> -> memref<1x312x128xf32, #tpu.memory_space<vmem>>
      %dma_start3A_243 = tpu.memref_squeeze %dma_start3A_242 : memref<1x312x128xf32, #tpu.memory_space<vmem>> -> memref<312x128xf32, #tpu.memory_space<vmem>>
      tpu.enqueue_dma source(%dma_start3A_243 : memref<312x128xf32, #tpu.memory_space<vmem>>) target(%dma_start3A_239 : memref<312x128xf32, #tpu.memory_space<hbm>>) target_semaphore(%arg8 : memref<!tpu.dma_semaphore, #tpu.memory_space<semaphore_mem>>)
      %dma_wait3A_244 = arith.constant 0 : i32
      %dma_wait3A_245 = arith.constant 0 : i32
      %dma_wait3A_246 = arith.constant 0 : i32
      %dma_wait3A_247 = tpu.memref_slice %arg6[%dma_wait3A_244, %dma_wait3A_245, %dma_wait3A_246] : memref<2x472x128xf32, #tpu.memory_space<vmem>> -> memref<1x312x128xf32, #tpu.memory_space<vmem>>
      %dma_wait3A_248 = tpu.memref_squeeze %dma_wait3A_247 : memref<1x312x128xf32, #tpu.memory_space<vmem>> -> memref<312x128xf32, #tpu.memory_space<vmem>>
      %dma_wait3A_249 = arith.constant 0 : i32
      %dma_wait3A_250 = tpu.memref_slice %arg4[%add3A_230, %dma_wait3A_249] : memref<100352x128xf32, #tpu.memory_space<hbm>> -> memref<312x128xf32, #tpu.memory_space<hbm>>
      %dma_wait3A_251 = arith.constant 0 : i32
      %dma_wait3A_252 = tpu.memref_slice %arg4[%add3A_230, %dma_wait3A_251] : memref<100352x128xf32, #tpu.memory_space<hbm>> -> memref<312x128xf32, #tpu.memory_space<hbm>>
      %dma_wait3A_253 = arith.constant 0 : i32
      %dma_wait3A_254 = arith.constant 0 : i32
      %dma_wait3A_255 = tpu.memref_slice %arg6[%dma_wait3A_244, %dma_wait3A_253, %dma_wait3A_254] : memref<2x472x128xf32, #tpu.memory_space<vmem>> -> memref<1x312x128xf32, #tpu.memory_space<vmem>>
      %dma_wait3A_256 = tpu.memref_squeeze %dma_wait3A_255 : memref<1x312x128xf32, #tpu.memory_space<vmem>> -> memref<312x128xf32, #tpu.memory_space<vmem>>
      tpu.wait_dma2 semaphore(%arg8 : memref<!tpu.dma_semaphore, #tpu.memory_space<semaphore_mem>>) src(%dma_wait3A_256 : memref<312x128xf32, #tpu.memory_space<vmem>>) dst(%dma_wait3A_252 : memref<312x128xf32, #tpu.memory_space<hbm>>)
      %dma_start3A_257 = arith.constant 0 : i32
      %dma_start3A_258 = arith.constant 0 : i32
      %dma_start3A_259 = arith.constant 0 : i32
      %dma_start3A_260 = tpu.memref_slice %arg6[%dma_start3A_257, %dma_start3A_258, %dma_start3A_259] : memref<2x472x128xf32, #tpu.memory_space<vmem>> -> memref<1x312x128xf32, #tpu.memory_space<vmem>>
      %dma_start3A_261 = tpu.memref_squeeze %dma_start3A_260 : memref<1x312x128xf32, #tpu.memory_space<vmem>> -> memref<312x128xf32, #tpu.memory_space<vmem>>
      %dma_start3A_262 = arith.constant 1872 : i32
      %dma_start3A_263 = tpu.memref_slice %arg5[%dma_start3A_262] : memref<3776xi32, #tpu.memory_space<vmem>> -> memref<312xi32, #tpu.memory_space<vmem>>
      %dma_start3A_264 = arith.constant 0 : i32
      %dma_start3A_265 = arith.constant 0 : i32
      %dma_start3A_266 = tpu.memref_slice %arg2[%dma_start3A_264, %dma_start3A_265] : memref<100000x128xf32, #tpu.memory_space<hbm>> -> memref<100000x128xf32, #tpu.memory_space<hbm>>
      tpu.enqueue_indirect_dma source(%dma_start3A_266 : memref<100000x128xf32, #tpu.memory_space<hbm>>) target(%dma_start3A_261 : memref<312x128xf32, #tpu.memory_space<vmem>>) offsets(%dma_start3A_263 : memref<312xi32, #tpu.memory_space<vmem>>) semaphore(%arg7 : memref<!tpu.dma_semaphore, #tpu.memory_space<semaphore_mem>>)
      %dma_wait3A_267 = arith.constant 1 : i32
      %dma_wait3A_268 = arith.constant 0 : i32
      %dma_wait3A_269 = arith.constant 0 : i32
      %dma_wait3A_270 = tpu.memref_slice %arg6[%dma_wait3A_267, %dma_wait3A_268, %dma_wait3A_269] : memref<2x472x128xf32, #tpu.memory_space<vmem>> -> memref<1x312x128xf32, #tpu.memory_space<vmem>>
      %dma_wait3A_271 = tpu.memref_squeeze %dma_wait3A_270 : memref<1x312x128xf32, #tpu.memory_space<vmem>> -> memref<312x128xf32, #tpu.memory_space<vmem>>
      %dma_wait3A_272 = arith.constant 1560 : i32
      %dma_wait3A_273 = tpu.memref_slice %arg5[%dma_wait3A_272] : memref<3776xi32, #tpu.memory_space<vmem>> -> memref<312xi32, #tpu.memory_space<vmem>>
      %dma_wait3A_274 = arith.constant 0 : i32
      %dma_wait3A_275 = arith.constant 0 : i32
      %dma_wait3A_276 = tpu.memref_slice %arg2[%dma_wait3A_274, %dma_wait3A_275] : memref<100000x128xf32, #tpu.memory_space<hbm>> -> memref<100000x128xf32, #tpu.memory_space<hbm>>
      tpu.wait_indirect_dma semaphore(%arg7 : memref<!tpu.dma_semaphore, #tpu.memory_space<semaphore_mem>>) src(%dma_wait3A_276 : memref<100000x128xf32, #tpu.memory_space<hbm>>) dst(%dma_wait3A_271 : memref<312x128xf32, #tpu.memory_space<vmem>>)
      %add3A_277 = arith.constant 1560 : i32
      %add3A_278 = arith.addi %add3A_8, %add3A_277 : i32
      %dma_start3A_279 = arith.constant 1 : i32
      %dma_start3A_280 = arith.constant 0 : i32
      %dma_start3A_281 = arith.constant 0 : i32
      %dma_start3A_282 = tpu.memref_slice %arg6[%dma_start3A_279, %dma_start3A_280, %dma_start3A_281] : memref<2x472x128xf32, #tpu.memory_space<vmem>> -> memref<1x312x128xf32, #tpu.memory_space<vmem>>
      %dma_start3A_283 = tpu.memref_squeeze %dma_start3A_282 : memref<1x312x128xf32, #tpu.memory_space<vmem>> -> memref<312x128xf32, #tpu.memory_space<vmem>>
      %dma_start3A_284 = arith.constant 0 : i32
      %dma_start3A_285 = tpu.memref_slice %arg4[%add3A_278, %dma_start3A_284] : memref<100352x128xf32, #tpu.memory_space<hbm>> -> memref<312x128xf32, #tpu.memory_space<hbm>>
      %dma_start3A_286 = arith.constant 0 : i32
      %dma_start3A_287 = tpu.memref_slice %arg4[%add3A_278, %dma_start3A_286] : memref<100352x128xf32, #tpu.memory_space<hbm>> -> memref<312x128xf32, #tpu.memory_space<hbm>>
      %dma_start3A_288 = arith.constant 0 : i32
      %dma_start3A_289 = arith.constant 0 : i32
      %dma_start3A_290 = tpu.memref_slice %arg6[%dma_start3A_279, %dma_start3A_288, %dma_start3A_289] : memref<2x472x128xf32, #tpu.memory_space<vmem>> -> memref<1x312x128xf32, #tpu.memory_space<vmem>>
      %dma_start3A_291 = tpu.memref_squeeze %dma_start3A_290 : memref<1x312x128xf32, #tpu.memory_space<vmem>> -> memref<312x128xf32, #tpu.memory_space<vmem>>
      tpu.enqueue_dma source(%dma_start3A_291 : memref<312x128xf32, #tpu.memory_space<vmem>>) target(%dma_start3A_287 : memref<312x128xf32, #tpu.memory_space<hbm>>) target_semaphore(%arg8 : memref<!tpu.dma_semaphore, #tpu.memory_space<semaphore_mem>>)
      %dma_wait3A_292 = arith.constant 1 : i32
      %dma_wait3A_293 = arith.constant 0 : i32
      %dma_wait3A_294 = arith.constant 0 : i32
      %dma_wait3A_295 = tpu.memref_slice %arg6[%dma_wait3A_292, %dma_wait3A_293, %dma_wait3A_294] : memref<2x472x128xf32, #tpu.memory_space<vmem>> -> memref<1x312x128xf32, #tpu.memory_space<vmem>>
      %dma_wait3A_296 = tpu.memref_squeeze %dma_wait3A_295 : memref<1x312x128xf32, #tpu.memory_space<vmem>> -> memref<312x128xf32, #tpu.memory_space<vmem>>
      %dma_wait3A_297 = arith.constant 0 : i32
      %dma_wait3A_298 = tpu.memref_slice %arg4[%add3A_278, %dma_wait3A_297] : memref<100352x128xf32, #tpu.memory_space<hbm>> -> memref<312x128xf32, #tpu.memory_space<hbm>>
      %dma_wait3A_299 = arith.constant 0 : i32
      %dma_wait3A_300 = tpu.memref_slice %arg4[%add3A_278, %dma_wait3A_299] : memref<100352x128xf32, #tpu.memory_space<hbm>> -> memref<312x128xf32, #tpu.memory_space<hbm>>
      %dma_wait3A_301 = arith.constant 0 : i32
      %dma_wait3A_302 = arith.constant 0 : i32
      %dma_wait3A_303 = tpu.memref_slice %arg6[%dma_wait3A_292, %dma_wait3A_301, %dma_wait3A_302] : memref<2x472x128xf32, #tpu.memory_space<vmem>> -> memref<1x312x128xf32, #tpu.memory_space<vmem>>
      %dma_wait3A_304 = tpu.memref_squeeze %dma_wait3A_303 : memref<1x312x128xf32, #tpu.memory_space<vmem>> -> memref<312x128xf32, #tpu.memory_space<vmem>>
      tpu.wait_dma2 semaphore(%arg8 : memref<!tpu.dma_semaphore, #tpu.memory_space<semaphore_mem>>) src(%dma_wait3A_304 : memref<312x128xf32, #tpu.memory_space<vmem>>) dst(%dma_wait3A_300 : memref<312x128xf32, #tpu.memory_space<hbm>>)
      %dma_start3A_305 = arith.constant 1 : i32
      %dma_start3A_306 = arith.constant 0 : i32
      %dma_start3A_307 = arith.constant 0 : i32
      %dma_start3A_308 = tpu.memref_slice %arg6[%dma_start3A_305, %dma_start3A_306, %dma_start3A_307] : memref<2x472x128xf32, #tpu.memory_space<vmem>> -> memref<1x312x128xf32, #tpu.memory_space<vmem>>
      %dma_start3A_309 = tpu.memref_squeeze %dma_start3A_308 : memref<1x312x128xf32, #tpu.memory_space<vmem>> -> memref<312x128xf32, #tpu.memory_space<vmem>>
      %dma_start3A_310 = arith.constant 2184 : i32
      %dma_start3A_311 = tpu.memref_slice %arg5[%dma_start3A_310] : memref<3776xi32, #tpu.memory_space<vmem>> -> memref<312xi32, #tpu.memory_space<vmem>>
      %dma_start3A_312 = arith.constant 0 : i32
      %dma_start3A_313 = arith.constant 0 : i32
      %dma_start3A_314 = tpu.memref_slice %arg2[%dma_start3A_312, %dma_start3A_313] : memref<100000x128xf32, #tpu.memory_space<hbm>> -> memref<100000x128xf32, #tpu.memory_space<hbm>>
      tpu.enqueue_indirect_dma source(%dma_start3A_314 : memref<100000x128xf32, #tpu.memory_space<hbm>>) target(%dma_start3A_309 : memref<312x128xf32, #tpu.memory_space<vmem>>) offsets(%dma_start3A_311 : memref<312xi32, #tpu.memory_space<vmem>>) semaphore(%arg7 : memref<!tpu.dma_semaphore, #tpu.memory_space<semaphore_mem>>)
      %dma_wait3A_315 = arith.constant 0 : i32
      %dma_wait3A_316 = arith.constant 0 : i32
      %dma_wait3A_317 = arith.constant 0 : i32
      %dma_wait3A_318 = tpu.memref_slice %arg6[%dma_wait3A_315, %dma_wait3A_316, %dma_wait3A_317] : memref<2x472x128xf32, #tpu.memory_space<vmem>> -> memref<1x312x128xf32, #tpu.memory_space<vmem>>
      %dma_wait3A_319 = tpu.memref_squeeze %dma_wait3A_318 : memref<1x312x128xf32, #tpu.memory_space<vmem>> -> memref<312x128xf32, #tpu.memory_space<vmem>>
      %dma_wait3A_320 = arith.constant 1872 : i32
      %dma_wait3A_321 = tpu.memref_slice %arg5[%dma_wait3A_320] : memref<3776xi32, #tpu.memory_space<vmem>> -> memref<312xi32, #tpu.memory_space<vmem>>
      %dma_wait3A_322 = arith.constant 0 : i32
      %dma_wait3A_323 = arith.constant 0 : i32
      %dma_wait3A_324 = tpu.memref_slice %arg2[%dma_wait3A_322, %dma_wait3A_323] : memref<100000x128xf32, #tpu.memory_space<hbm>> -> memref<100000x128xf32, #tpu.memory_space<hbm>>
      tpu.wait_indirect_dma semaphore(%arg7 : memref<!tpu.dma_semaphore, #tpu.memory_space<semaphore_mem>>) src(%dma_wait3A_324 : memref<100000x128xf32, #tpu.memory_space<hbm>>) dst(%dma_wait3A_319 : memref<312x128xf32, #tpu.memory_space<vmem>>)
      %add3A_325 = arith.constant 1872 : i32
      %add3A_326 = arith.addi %add3A_8, %add3A_325 : i32
      %dma_start3A_327 = arith.constant 0 : i32
      %dma_start3A_328 = arith.constant 0 : i32
      %dma_start3A_329 = arith.constant 0 : i32
      %dma_start3A_330 = tpu.memref_slice %arg6[%dma_start3A_327, %dma_start3A_328, %dma_start3A_329] : memref<2x472x128xf32, #tpu.memory_space<vmem>> -> memref<1x312x128xf32, #tpu.memory_space<vmem>>
      %dma_start3A_331 = tpu.memref_squeeze %dma_start3A_330 : memref<1x312x128xf32, #tpu.memory_space<vmem>> -> memref<312x128xf32, #tpu.memory_space<vmem>>
      %dma_start3A_332 = arith.constant 0 : i32
      %dma_start3A_333 = tpu.memref_slice %arg4[%add3A_326, %dma_start3A_332] : memref<100352x128xf32, #tpu.memory_space<hbm>> -> memref<312x128xf32, #tpu.memory_space<hbm>>
      %dma_start3A_334 = arith.constant 0 : i32
      %dma_start3A_335 = tpu.memref_slice %arg4[%add3A_326, %dma_start3A_334] : memref<100352x128xf32, #tpu.memory_space<hbm>> -> memref<312x128xf32, #tpu.memory_space<hbm>>
      %dma_start3A_336 = arith.constant 0 : i32
      %dma_start3A_337 = arith.constant 0 : i32
      %dma_start3A_338 = tpu.memref_slice %arg6[%dma_start3A_327, %dma_start3A_336, %dma_start3A_337] : memref<2x472x128xf32, #tpu.memory_space<vmem>> -> memref<1x312x128xf32, #tpu.memory_space<vmem>>
      %dma_start3A_339 = tpu.memref_squeeze %dma_start3A_338 : memref<1x312x128xf32, #tpu.memory_space<vmem>> -> memref<312x128xf32, #tpu.memory_space<vmem>>
      tpu.enqueue_dma source(%dma_start3A_339 : memref<312x128xf32, #tpu.memory_space<vmem>>) target(%dma_start3A_335 : memref<312x128xf32, #tpu.memory_space<hbm>>) target_semaphore(%arg8 : memref<!tpu.dma_semaphore, #tpu.memory_space<semaphore_mem>>)
      %dma_wait3A_340 = arith.constant 1 : i32
      %dma_wait3A_341 = arith.constant 0 : i32
      %dma_wait3A_342 = arith.constant 0 : i32
      %dma_wait3A_343 = tpu.memref_slice %arg6[%dma_wait3A_340, %dma_wait3A_341, %dma_wait3A_342] : memref<2x472x128xf32, #tpu.memory_space<vmem>> -> memref<1x312x128xf32, #tpu.memory_space<vmem>>
      %dma_wait3A_344 = tpu.memref_squeeze %dma_wait3A_343 : memref<1x312x128xf32, #tpu.memory_space<vmem>> -> memref<312x128xf32, #tpu.memory_space<vmem>>
      %dma_wait3A_345 = arith.constant 2184 : i32
      %dma_wait3A_346 = tpu.memref_slice %arg5[%dma_wait3A_345] : memref<3776xi32, #tpu.memory_space<vmem>> -> memref<312xi32, #tpu.memory_space<vmem>>
      %dma_wait3A_347 = arith.constant 0 : i32
      %dma_wait3A_348 = arith.constant 0 : i32
      %dma_wait3A_349 = tpu.memref_slice %arg2[%dma_wait3A_347, %dma_wait3A_348] : memref<100000x128xf32, #tpu.memory_space<hbm>> -> memref<100000x128xf32, #tpu.memory_space<hbm>>
      tpu.wait_indirect_dma semaphore(%arg7 : memref<!tpu.dma_semaphore, #tpu.memory_space<semaphore_mem>>) src(%dma_wait3A_349 : memref<100000x128xf32, #tpu.memory_space<hbm>>) dst(%dma_wait3A_344 : memref<312x128xf32, #tpu.memory_space<vmem>>)
      %add3A_350 = arith.constant 2184 : i32
      %add3A_351 = arith.addi %add3A_8, %add3A_350 : i32
      %dma_start3A_352 = arith.constant 1 : i32
      %dma_start3A_353 = arith.constant 0 : i32
      %dma_start3A_354 = arith.constant 0 : i32
      %dma_start3A_355 = tpu.memref_slice %arg6[%dma_start3A_352, %dma_start3A_353, %dma_start3A_354] : memref<2x472x128xf32, #tpu.memory_space<vmem>> -> memref<1x312x128xf32, #tpu.memory_space<vmem>>
      %dma_start3A_356 = tpu.memref_squeeze %dma_start3A_355 : memref<1x312x128xf32, #tpu.memory_space<vmem>> -> memref<312x128xf32, #tpu.memory_space<vmem>>
      %dma_start3A_357 = arith.constant 0 : i32
      %dma_start3A_358 = tpu.memref_slice %arg4[%add3A_351, %dma_start3A_357] : memref<100352x128xf32, #tpu.memory_space<hbm>> -> memref<312x128xf32, #tpu.memory_space<hbm>>
      %dma_start3A_359 = arith.constant 0 : i32
      %dma_start3A_360 = tpu.memref_slice %arg4[%add3A_351, %dma_start3A_359] : memref<100352x128xf32, #tpu.memory_space<hbm>> -> memref<312x128xf32, #tpu.memory_space<hbm>>
      %dma_start3A_361 = arith.constant 0 : i32
      %dma_start3A_362 = arith.constant 0 : i32
      %dma_start3A_363 = tpu.memref_slice %arg6[%dma_start3A_352, %dma_start3A_361, %dma_start3A_362] : memref<2x472x128xf32, #tpu.memory_space<vmem>> -> memref<1x312x128xf32, #tpu.memory_space<vmem>>
      %dma_start3A_364 = tpu.memref_squeeze %dma_start3A_363 : memref<1x312x128xf32, #tpu.memory_space<vmem>> -> memref<312x128xf32, #tpu.memory_space<vmem>>
      tpu.enqueue_dma source(%dma_start3A_364 : memref<312x128xf32, #tpu.memory_space<vmem>>) target(%dma_start3A_360 : memref<312x128xf32, #tpu.memory_space<hbm>>) target_semaphore(%arg8 : memref<!tpu.dma_semaphore, #tpu.memory_space<semaphore_mem>>)
      %dma_wait3A_365 = arith.constant 0 : i32
      %dma_wait3A_366 = arith.constant 0 : i32
      %dma_wait3A_367 = arith.constant 0 : i32
      %dma_wait3A_368 = tpu.memref_slice %arg6[%dma_wait3A_365, %dma_wait3A_366, %dma_wait3A_367] : memref<2x472x128xf32, #tpu.memory_space<vmem>> -> memref<1x312x128xf32, #tpu.memory_space<vmem>>
      %dma_wait3A_369 = tpu.memref_squeeze %dma_wait3A_368 : memref<1x312x128xf32, #tpu.memory_space<vmem>> -> memref<312x128xf32, #tpu.memory_space<vmem>>
      %dma_wait3A_370 = arith.constant 0 : i32
      %dma_wait3A_371 = tpu.memref_slice %arg4[%add3A_326, %dma_wait3A_370] : memref<100352x128xf32, #tpu.memory_space<hbm>> -> memref<312x128xf32, #tpu.memory_space<hbm>>
      %dma_wait3A_372 = arith.constant 0 : i32
      %dma_wait3A_373 = tpu.memref_slice %arg4[%add3A_326, %dma_wait3A_372] : memref<100352x128xf32, #tpu.memory_space<hbm>> -> memref<312x128xf32, #tpu.memory_space<hbm>>
      %dma_wait3A_374 = arith.constant 0 : i32
      %dma_wait3A_375 = arith.constant 0 : i32
      %dma_wait3A_376 = tpu.memref_slice %arg6[%dma_wait3A_365, %dma_wait3A_374, %dma_wait3A_375] : memref<2x472x128xf32, #tpu.memory_space<vmem>> -> memref<1x312x128xf32, #tpu.memory_space<vmem>>
      %dma_wait3A_377 = tpu.memref_squeeze %dma_wait3A_376 : memref<1x312x128xf32, #tpu.memory_space<vmem>> -> memref<312x128xf32, #tpu.memory_space<vmem>>
      tpu.wait_dma2 semaphore(%arg8 : memref<!tpu.dma_semaphore, #tpu.memory_space<semaphore_mem>>) src(%dma_wait3A_377 : memref<312x128xf32, #tpu.memory_space<vmem>>) dst(%dma_wait3A_373 : memref<312x128xf32, #tpu.memory_space<hbm>>)
      %dma_wait3A_378 = arith.constant 1 : i32
      %dma_wait3A_379 = arith.constant 0 : i32
      %dma_wait3A_380 = arith.constant 0 : i32
      %dma_wait3A_381 = tpu.memref_slice %arg6[%dma_wait3A_378, %dma_wait3A_379, %dma_wait3A_380] : memref<2x472x128xf32, #tpu.memory_space<vmem>> -> memref<1x312x128xf32, #tpu.memory_space<vmem>>
      %dma_wait3A_382 = tpu.memref_squeeze %dma_wait3A_381 : memref<1x312x128xf32, #tpu.memory_space<vmem>> -> memref<312x128xf32, #tpu.memory_space<vmem>>
      %dma_wait3A_383 = arith.constant 0 : i32
      %dma_wait3A_384 = tpu.memref_slice %arg4[%add3A_351, %dma_wait3A_383] : memref<100352x128xf32, #tpu.memory_space<hbm>> -> memref<312x128xf32, #tpu.memory_space<hbm>>
      %dma_wait3A_385 = arith.constant 0 : i32
      %dma_wait3A_386 = tpu.memref_slice %arg4[%add3A_351, %dma_wait3A_385] : memref<100352x128xf32, #tpu.memory_space<hbm>> -> memref<312x128xf32, #tpu.memory_space<hbm>>
      %dma_wait3A_387 = arith.constant 0 : i32
      %dma_wait3A_388 = arith.constant 0 : i32
      %dma_wait3A_389 = tpu.memref_slice %arg6[%dma_wait3A_378, %dma_wait3A_387, %dma_wait3A_388] : memref<2x472x128xf32, #tpu.memory_space<vmem>> -> memref<1x312x128xf32, #tpu.memory_space<vmem>>
      %dma_wait3A_390 = tpu.memref_squeeze %dma_wait3A_389 : memref<1x312x128xf32, #tpu.memory_space<vmem>> -> memref<312x128xf32, #tpu.memory_space<vmem>>
      tpu.wait_dma2 semaphore(%arg8 : memref<!tpu.dma_semaphore, #tpu.memory_space<semaphore_mem>>) src(%dma_wait3A_390 : memref<312x128xf32, #tpu.memory_space<vmem>>) dst(%dma_wait3A_386 : memref<312x128xf32, #tpu.memory_space<hbm>>)
    } else {
    }
    return
  }
}

module attributes {stable_mosaic.version = 14 : i64} {
  func.func @_combine_body(%arg0: i32, %arg1: memref<7168x128xf32, #tpu.memory_space<vmem>>, %arg2: memref<7168x128xf32, #tpu.memory_space<vmem>>, %arg3: memref<128x32xf32, #tpu.memory_space<vmem>>, %arg4: memref<128x32xf32, #tpu.memory_space<vmem>>, %arg5: memref<1x7168xf32, #tpu.memory_space<vmem>>, %arg6: memref<32x7168xf32, #tpu.memory_space<vmem>>) attributes {dimension_semantics = [#tpu.dimension_semantics<arbitrary>], iteration_bounds = array<i64: 14>, scalar_prefetch = 0 : i64, scratch_operands = 0 : i64, tpu.core_type = #tpu.core_type<tc>, window_params = [{transform_indices = @transform_0, window_bounds = array<i64: 7168, 128>}, {transform_indices = @transform_1, window_bounds = array<i64: 7168, 128>}, {pipeline_mode = #tpu.pipeline_mode<synchronous>, transform_indices = @transform_2, window_bounds = array<i64: 128, 32>}, {pipeline_mode = #tpu.pipeline_mode<synchronous>, transform_indices = @transform_3, window_bounds = array<i64: 128, 32>}, {transform_indices = @transform_4, window_bounds = array<i64: 1, 7168>}, {transform_indices = @transform_5, window_bounds = array<i64: 32, 7168>}]} {
    %get3A = arith.constant 0 : index
    %get3A_0 = arith.constant 0 : index
    %get3A_1 = vector.load %arg1[%get3A, %get3A_0] : memref<7168x128xf32, #tpu.memory_space<vmem>>, vector<7168x128xf32>
    %get3A_2 = arith.constant 0 : index
    %get3A_3 = arith.constant 0 : index
    %get3A_4 = vector.load %arg2[%get3A_2, %get3A_3] : memref<7168x128xf32, #tpu.memory_space<vmem>>, vector<7168x128xf32>
    %iota3A = tpu.iota {dimensions = array<i32: 1>} : vector<7168x128xi32>
    %lt3A = arith.constant 3 : i32
    %lt3A_5 = vector.broadcast %lt3A : i32 to vector<7168x128xi32>
    %lt3A_6 = arith.cmpi slt, %iota3A, %lt3A_5 : vector<7168x128xi32>
    %add3A = arith.addf %get3A_4, %get3A_1 : vector<7168x128xf32>
    %select_n3A = arith.select %lt3A_6, %get3A_4, %add3A : vector<7168x128xi1>, vector<7168x128xf32>
    %sub3A = arith.subf %get3A_1, %get3A_4 : vector<7168x128xf32>
    %slice3A = vector.extract_strided_slice %iota3A {offsets = [0, 0], sizes = [1, 128], strides = [1, 1]} : vector<7168x128xi32> to vector<1x128xi32>
    %lt3A_7 = arith.constant 3 : i32
    %lt3A_8 = vector.broadcast %lt3A_7 : i32 to vector<1x128xi32>
    %lt3A_9 = arith.cmpi slt, %slice3A, %lt3A_8 : vector<1x128xi32>
    %jit3A = arith.constant 1.000000e+00 : f32
    %jit3A_10 = arith.constant 0.000000e+00 : f32
    %broadcast_in_dim3A = vector.broadcast %jit3A : f32 to vector<1x128xf32>
    %broadcast_in_dim3A_11 = vector.broadcast %jit3A_10 : f32 to vector<1x128xf32>
    %select_n3A_12 = arith.select %lt3A_9, %broadcast_in_dim3A, %broadcast_in_dim3A_11 : vector<1x128xi1>, vector<1x128xf32>
    %mul3A = arith.mulf %sub3A, %sub3A : vector<7168x128xf32>
    %dot_general3A = arith.constant dense<0.000000e+00> : vector<1x7168xf32>
    %dot_general3A_13 = tpu.matmul %select_n3A_12, %mul3A, %dot_general3A {dimension_numbers = #tpu.dot_dimension_numbers<[1], [1], [0], [0], [0, 0, 1, 0], [], []>, transpose_lhs_hint = false} : vector<1x128xf32>, vector<7168x128xf32>, vector<1x7168xf32> -> vector<1x7168xf32>
    %get3A_14 = arith.constant 0 : index
    %get3A_15 = arith.constant 0 : index
    %get3A_16 = vector.load %arg5[%get3A_14, %get3A_15] : memref<1x7168xf32, #tpu.memory_space<vmem>>, vector<1x7168xf32>
    %gt3A = arith.constant 0.000000e+00 : f32
    %gt3A_17 = vector.broadcast %gt3A : f32 to vector<1x7168xf32>
    %gt3A_18 = arith.cmpf ogt, %dot_general3A_13, %gt3A_17 : vector<1x7168xf32>
    %jit3A_19 = arith.constant 9.99999974E-5 : f32
    %broadcast_in_dim3A_20 = vector.broadcast %jit3A_19 : f32 to vector<1x7168xf32>
    %select_n3A_21 = arith.select %gt3A_18, %dot_general3A_13, %broadcast_in_dim3A_20 : vector<1x7168xi1>, vector<1x7168xf32>
    %div3A = arith.divf %get3A_16, %select_n3A_21 : vector<1x7168xf32>
    %get3A_22 = arith.constant 0 : index
    %get3A_23 = arith.constant 0 : index
    %get3A_24 = vector.load %arg4[%get3A_22, %get3A_23] : memref<128x32xf32, #tpu.memory_space<vmem>>, vector<128x32xf32>
    %dot_general3A_25 = arith.constant dense<0.000000e+00> : vector<32x7168xf32>
    %dot_general3A_26 = tpu.matmul %get3A_24, %select_n3A, %dot_general3A_25 {dimension_numbers = #tpu.dot_dimension_numbers<[0], [1], [1], [0], [0, 1, 1, 0], [], []>, transpose_lhs_hint = false} : vector<128x32xf32>, vector<7168x128xf32>, vector<32x7168xf32> -> vector<32x7168xf32>
    %get3A_27 = arith.constant 0 : index
    %get3A_28 = arith.constant 0 : index
    %get3A_29 = vector.load %arg3[%get3A_27, %get3A_28] : memref<128x32xf32, #tpu.memory_space<vmem>>, vector<128x32xf32>
    %dot_general3A_30 = arith.constant dense<0.000000e+00> : vector<32x7168xf32>
    %dot_general3A_31 = tpu.matmul %get3A_29, %get3A_1, %dot_general3A_30 {dimension_numbers = #tpu.dot_dimension_numbers<[0], [1], [1], [0], [0, 1, 1, 0], [], []>, transpose_lhs_hint = false} : vector<128x32xf32>, vector<7168x128xf32>, vector<32x7168xf32> -> vector<32x7168xf32>
    %mul3A_32 = vector.broadcast %div3A : vector<1x7168xf32> to vector<32x7168xf32>
    %mul3A_33 = arith.mulf %dot_general3A_26, %mul3A_32 : vector<32x7168xf32>
    %get3A_34 = arith.constant 0 : index
    %get3A_35 = arith.constant 0 : index
    %get3A_36 = vector.load %arg5[%get3A_34, %get3A_35] : memref<1x7168xf32, #tpu.memory_space<vmem>>, vector<1x7168xf32>
    %mul3A_37 = vector.broadcast %get3A_36 : vector<1x7168xf32> to vector<32x7168xf32>
    %mul3A_38 = arith.mulf %dot_general3A_31, %mul3A_37 : vector<32x7168xf32>
    %add3A_39 = arith.addf %mul3A_33, %mul3A_38 : vector<32x7168xf32>
    %swap3A = arith.constant 0 : index
    %swap3A_40 = arith.constant 0 : index
    %swap3A_41 = vector.load %arg6[%swap3A, %swap3A_40] : memref<32x7168xf32, #tpu.memory_space<vmem>>, vector<32x7168xf32>
    tpu.vector_store %arg6[%swap3A, %swap3A_40], %add3A_39 {strides = array<i32>} : memref<32x7168xf32, #tpu.memory_space<vmem>>, vector<32x7168xf32>,
    return
  }
  func.func @transform_0(%arg0: i32) -> (i32, i32) {
    %c0_i32 = arith.constant 0 : i32
    %c0_i32_0 = arith.constant 0 : i32
    return %arg0, %c0_i32 : i32, i32
  }
  func.func @transform_1(%arg0: i32) -> (i32, i32) {
    %c0_i32 = arith.constant 0 : i32
    %c0_i32_0 = arith.constant 0 : i32
    return %arg0, %c0_i32 : i32, i32
  }
  func.func @transform_2(%arg0: i32) -> (i32, i32) {
    %c0_i32 = arith.constant 0 : i32
    %c0_i32_0 = arith.constant 0 : i32
    %c0_i32_1 = arith.constant 0 : i32
    return %c0_i32, %c0_i32_0 : i32, i32
  }
  func.func @transform_3(%arg0: i32) -> (i32, i32) {
    %c0_i32 = arith.constant 0 : i32
    %c0_i32_0 = arith.constant 0 : i32
    %c0_i32_1 = arith.constant 0 : i32
    return %c0_i32, %c0_i32_0 : i32, i32
  }
  func.func @transform_4(%arg0: i32) -> (i32, i32) {
    %c0_i32 = arith.constant 0 : i32
    %c0_i32_0 = arith.constant 0 : i32
    return %c0_i32, %arg0 : i32, i32
  }
  func.func @transform_5(%arg0: i32) -> (i32, i32) {
    %c0_i32 = arith.constant 0 : i32
    %c0_i32_0 = arith.constant 0 : i32
    return %c0_i32, %arg0 : i32, i32
  }
}

</mosaic_0001>

<sc_bundles>
// kernel: kernel.4.cloned.1.call-start
scs
__scs_entry_jumppad:
0x0: {  	(pc) =	sbr.rel $0x88, $3  }
0x1: {  	(tag) =	ssettag $0x0;
	lr =	simm.s32 $0x1  }
0x2: {  	[smem:$0x3F9D] =	sst lr;
	_ =	strace $0xD0000000  }
0x3: {  	_ = 	snop  }
0x4: {  	_ = 	snop  }
0x5: {  	_ = 	snop  }
0x6: {  	_ = 	snop  }
0x7: {  	_ = 	snop  }
__scs_overlays_trampoline_lowered:
0x8: {  	[smem:$0x3FAC] =	sst s0  }
0x9: {  	[smem:$0x3FAD] =	sst s1  }
0xa: {  	[smem:$0x3FAE] =	sst s2  }
0xb: {  	[smem:$0x3FAF] =	sst s3  }
0xc: {  	[smem:$0x3FB0] =	sst s4  }
0xd: {  	[smem:$0x3FB1] =	sst s5  }
0xe: {  	[smem:$0x3FB2] =	sst s6  }
0xf: {  	[smem:$0x3FB3] =	sst s7  }
0x10: {  	[smem:$0x3FB4] =	sst s8  }
0x11: {  	[smem:$0x3FB5] =	sst s9;
	s0 =	simm.s32 @!p0 $0x0  }
0x12: {  	s1 =	sld [smem:$0x3F9B];
	s0 =	simm.s32 @p0 $0x1  }
0x13: {  	[smem:$0x3FB6] =	sst s0;
	s0 =	simm.s32 @!p1 $0x0  }
0x14: {  	s2 =	sld [smem:$0x3F9A];
	s0 =	simm.s32 @p1 $0x1  }
0x15: {  	[smem:$0x3FB7] =	sst s0;
	s0 =	simm.s32 @!p2 $0x0  }
0x16: {  	s3 =	sld [smem:$0x3FDB];
	s0 =	simm.s32 @p2 $0x1  }
0x17: {  	s4 =	simm.s32 $0x1BF5;
	[smem:$0x3FB9] =	sst s0  }
0x18: {  	s0 =	sld [smem:$0x3F9C];
	_ =	swait.ge [sflag:s4], $0x0  }
0x19: {  	s7 =	sld [smem:$0x3F9D]  }
0x1a: {  	s8 =	sadd.s32 $0xFFFFE003, lr  }
0x1b: {  	s9 =	sadd.s32 $0xFFFFFEF7, lr;
	s5 =	simm.s32 $0xFFFFFFFF;
	p2 =	slt.u32 s8, $0xFFFFF086  }
0x1c: {  	p1 =	slt.u32 s9, $0xF7A;
	s5 =	simm.s32 @!p2 $0x0  }
0x1d: {  	s5 =	simm.s32 @p1 $0x1;
	p0 =	seq.s32 s7, s2  }
0x1e: {  	s7 =	smul.u32 @!p0 $0xF7A, s2;
	p2 =	seq.s32 @!p0 s5, $0x0  }
0x1f: {  	s9 =	smul.u32 $0xF7A, s1;
	s8 =	simm.s32 @!p0 $0x1BF5;
	p2 =	por !p2, p0  }
0x20: {  	[sflag:s8] =	ssyncset.s32 @!p0 $0xFFFFF086;
	s6 =	sadd.s32 @!p0 s3, s7;
	s7 =	simm.s32 @!p0 $0x108  }
0x21: {  	s3 =	sadd.s32 s3, s9;
	s6 =	sadd.s32 @!p0 $0x88, s6;
	s7 =	simm.s32 @p2 $0x1082  }
0x22: {  	[simem:s7], [sflag:s8] =	dma.local @!p0 [hbm:s6], $0xF7A  }
0x23: {  	s9 =	sor.u32 $0xD0000000, s2;
	s6 =	simm.s32 $0x108;
	_ =	swait.ge @!p0 [sflag:s8], $0x0  }
0x24: {  	s3 =	sadd.s32 $0x88, s3;
	s6 =	simm.s32 @!p1 $0x1082;
	[sflag:s4] =	ssyncset.s32 $0xFFFFF086  }
0x25: {  	[simem:s6], [sflag:s4] =	dma.local [hbm:s3], $0xF7A  }
0x26: {  	[smem:$0x3F9D] =	sst s1;
	(tag) =	ssettag s2;
	_ =	strace s9  }
0x27: {  	s1 =	sld [smem:$0x3FAD]  }
0x28: {  	s2 =	sld [smem:$0x3FAE]  }
0x29: {  	s4 =	sld [smem:$0x3FB0]  }
0x2a: {  	p0 =	seq.s32 s5, $0x0;
	s5 =	sld [smem:$0x3FB1]  }
0x2b: {  	s6 =	sld [smem:$0x3FB2]  }
0x2c: {  	s7 =	sld [smem:$0x3FB3]  }
0x2d: {  	s3 =	simm.s32 $0x108;
	s8 =	sld [smem:$0x3FB4]  }
0x2e: {  	s3 =	simm.s32 @!p0 $0x1082;
	s9 =	sld [smem:$0x3FB5]  }
0x2f: {  	lr =	sadd.s32 s0, s3;
	s0 =	sld [smem:$0x3FAC]  }
0x30: {  	s3 =	sld [smem:$0x3FAF]  }
0x31: {  	[smem:$0x3FB8] =	sst s10  }
0x32: {  	s10 =	sld [smem:$0x3FB6];
	_ =	sdelay $0x3  }
0x33: {  	p0 =	seq.s32 s10, $0x1;
	s10 =	sld [smem:$0x3FB8];
	_ =	sdelay $0x3  }
0x34: {  	[smem:$0x3FB8] =	sst s10  }
0x35: {  	s10 =	sld [smem:$0x3FB7];
	_ =	sdelay $0x3  }
0x36: {  	p1 =	seq.s32 s10, $0x1;
	s10 =	sld [smem:$0x3FB8];
	_ =	sdelay $0x3  }
0x37: {  	[smem:$0x3FB8] =	sst s10  }
0x38: {  	s10 =	sld [smem:$0x3FB9]  }
0x39: {  	_ = 	snop;
	(pc) =	sbr.ind lr, $3  }
0x3a: {  	_ = 	snop  }
0x3b: {  	_ = 	snop  }
0x3c: {  	p2 =	seq.s32 s10, $0x1;
	s10 =	sld [smem:$0x3FB8]  }
0x3d: {  	_ =	shalt  }
0x3e: {  	_ =	shalt  }
0x3f: {  	_ =	shalt  }
0x40: {  	_ =	shalt  }
0x41: {  	_ =	shalt  }
0x42: {  	_ =	shalt  }
0x43: {  	_ =	shalt  }
0x44: {  	_ =	shalt  }
0x45: {  	_ =	shalt  }
0x46: {  	_ =	shalt  }
0x47: {  	_ =	shalt  }
0x48: {  	_ =	shalt  }
0x49: {  	_ =	shalt  }
0x4a: {  	_ =	shalt  }
0x4b: {  	_ =	shalt  }
0x4c: {  	_ =	shalt  }
0x4d: {  	_ =	shalt  }
0x4e: {  	_ =	shalt  }
0x4f: {  	_ =	shalt  }
0x50: {  	_ =	shalt  }
0x51: {  	_ =	shalt  }
0x52: {  	_ =	shalt  }
0x53: {  	_ =	shalt  }
0x54: {  	_ =	shalt  }
0x55: {  	_ =	shalt  }
0x56: {  	_ =	shalt  }
0x57: {  	_ =	shalt  }
0x58: {  	_ =	shalt  }
0x59: {  	_ =	shalt  }
0x5a: {  	_ =	shalt  }
0x5b: {  	_ =	shalt  }
0x5c: {  	_ =	shalt  }
0x5d: {  	_ =	shalt  }
0x5e: {  	_ =	shalt  }
0x5f: {  	_ =	shalt  }
0x60: {  	_ =	shalt  }
0x61: {  	_ =	shalt  }
0x62: {  	_ =	shalt  }
0x63: {  	_ =	shalt  }
0x64: {  	_ =	shalt  }
0x65: {  	_ =	shalt  }
0x66: {  	_ =	shalt  }
0x67: {  	_ =	shalt  }
0x68: {  	_ =	shalt  }
0x69: {  	_ =	shalt  }
0x6a: {  	_ =	shalt  }
0x6b: {  	_ =	shalt  }
0x6c: {  	_ =	shalt  }
0x6d: {  	_ =	shalt  }
0x6e: {  	_ =	shalt  }
0x6f: {  	_ =	shalt  }
0x70: {  	_ =	shalt  }
0x71: {  	_ =	shalt  }
0x72: {  	_ =	shalt  }
0x73: {  	_ =	shalt  }
0x74: {  	_ =	shalt  }
0x75: {  	_ =	shalt  }
0x76: {  	_ =	shalt  }
0x77: {  	_ =	shalt  }
0x78: {  	_ =	shalt  }
0x79: {  	_ =	shalt  }
0x7a: {  	_ =	shalt  }
0x7b: {  	_ =	shalt  }
0x7c: {  	_ =	shalt  }
0x7d: {  	_ =	shalt  }
0x7e: {  	_ =	shalt  }
0x7f: {  	_ =	shalt  }
0x80: {  	_ =	shalt  }
0x81: {  	_ =	shalt  }
0x82: {  	_ =	shalt  }
0x83: {  	_ =	shalt  }
0x84: {  	_ =	shalt  }
0x85: {  	_ =	shalt  }
0x86: {  	_ =	shalt  }
0x87: {  	_ =	shalt  }
.Lfunc_end0:
.L_simem_size_0:
called_computation_lowered:
.L_overlay_start_0:
0x88: {  	s2 =	sld [smem:$0x3FD9]  }
0x89: {  	s3 =	sld [smem:$0x3FFE];
	_ =	sdelay $0x1  }
0x8a: {  	s1 =	srdreg.scid  }
0x8b: {  	s0 =	sand.u32 $0x1, s1  }
0x8c: {  	s17 =	sshll.u32 s0, $0xA;
	s2 =	sadd.s32 s3, s2  }
0x8d: {  	s2 =	sadd.s32 s2, s17  }
0x8e: {  	[smem:$0x3FC4] =	sst s2  }
0x8f: {  	_ = 	snop  }
0x90: {  	s2 =	sld [smem:$0x3FC9]  }
0x91: {  	s18 =	sld [smem:$0x3FD0];
	(tm) =	ssettm $0x1  }
0x92: {  	s4 =	sld [smem:$0x3FFB];
	_ =	sdelay $0x3  }
0x93: {  	_ =	strace s4  }
0x94: {  	s4 =	sld [smem:$0x3FFC];
	_ =	sdelay $0x3  }
0x95: {  	_ =	strace s4  }
0x96: {  	s4 =	sld [smem:$0x3FFD];
	_ =	sdelay $0x3  }
0x97: {  	_ =	strace s4  }
0x98: {  	_ =	strace $0x8FFFFFFF  }
0x99: {  	s19 =	sld [smem:$0x3FDB];
	_ =	sdelay $0x1  }
0x9a: {  	s5 =	simm.s32 $_scs_section_size  }
0x9b: {  	s6 =	simm.s32 $_size__tile_overlayer_lowered;
	s7 =	simm.s32 $_tile_overlayer_lowered  }
0x9c: {  	s22 =	simm.s32 $0x1BFF;
	s21 =	sshll.u32 s7, $0x1;
	s4 =	sadd.s32 s5, s19  }
0x9d: {  	s8 =	simm.s32 $0x0;
	s20 =	sshll.u32 s6, $0x1;
	s6 =	sadd.s32 s21, s4  }
0x9e: {  	[timem:s8], [sflag:s22] =	dma.local [hbm:s6], s20  }
0x9f: {  	_ =	swait.ge [sflag:s22], s20  }
0xa0: {  	s5 =	ssub.s32 $0x0, s20;
	[sflag:s22] =	ssyncset.done $0x0  }
0xa1: {  	[sflag:s22] =	ssyncadd.s32 s5;
	_ =	sdelay $0x1  }
0xa2: {  	s23 =	simm.s32 $0x1B8B  }
0xa3: {  	_ =	swait.ge [sflag:s23], $0x1  }
0xa4: {  	[sflag:s23] =	ssyncset.done $0x0  }
0xa5: {  	s25 =	simm.s32 $0x1B8E;
	s24 =	sld [smem:$0x3FFE];
	[sflag:s23] =	ssyncadd.s32 $0xFFFFFFFF  }
0xa6: {  	s26 =	simm.s32 $execute0_lowered;
	[smem:$0x3FD2] =	sst s25  }
0xa7: {  	s6 =	sshll.u32 s26, $0x1;
	_ =	strace $0x80000046;
	[dreg:$0x1] =	wrdreg $0xFFFFFFFF  }
0xa8: {  	s28 =	simm.s32 $_size_execute0_lowered;
	s4 =	sadd.s32 s4, s6;
	[dreg:$0x0] =	wrdreg $0x0  }
0xa9: {  	s6 =	sshll.u32 s28, $0x1;
	[dreg:$0x2] =	wrdreg s4  }
0xaa: {  	[dreg:$0x3] =	wrdreg s6  }
0xab: {  	[dreg:$0x4] =	wrdreg $0xC0  }
0xac: {  	_ =	task [dreg:s8], $0x5FFFF  }
0xad: {  	[dreg:$0x1] =	wrdreg $0xFFFFFFFF  }
0xae: {  	[dreg:$0x0] =	wrdreg $0x60  }
0xaf: {  	[dreg:$0x2] =	wrdreg s2  }
0xb0: {  	[dreg:$0x3] =	wrdreg s18  }
0xb1: {  	[dreg:$0x4] =	wrdreg s24  }
0xb2: {  	[dreg:$0x5] =	wrdreg $0x9  }
0xb3: {  	_ =	task.clear_ibuf [dreg:s8], $0x6FFFF;
	_ =	strace $0x90000046  }
0xb4: {  	s29 =	simm.s32 $0x9;
	_ =	strace $0x80000048  }
0xb5: {  	_ =	swait.ge [sflag:s29], $0x1  }
0xb6: {  	[sflag:s29] =	ssyncadd.s32 $0xFFFFFFFF  }
0xb7: {  	_ =	strace $0x90000048  }
0xb8: {  	_ =	sfence  }
0xb9: {  	s30 =	sld [smem:$0x0];
	_ =	sdelay $0x2  }
0xba: {  	s31 =	sshll.u32 s1, $0xD;
	s1 =	sshrl.u32 s1, $0x2  }
0xbb: {  	s3 =	sand.u32 $0x4000, s31;
	s1 =	sadd.s32 s1, s30  }
0xbc: {  	s0 =	sor.u32 s3, s0;
	s1 =	sshll.u32 s1, $0x11  }
0xbd: {  	s0 =	sor.u32 s1, s0  }
0xbe: {  	s0 =	sadd.s32 $0x8F2B, s0  }
0xbf: {  	[sflag:s0] =	ssyncadd.remote.s32 $0x1  }
0xc0: {  	_ =	sfence.sel $0xFFFF  }
0xc1: {  	[dreg:$0x0] =	wrdreg $0xFFFFFFFF;
	(pc) =	sbr.abs _section_cstart, $3  }
0xc2: {  	[dreg:$0x1] =	wrdreg $0xFFFFFFFF  }
0xc3: {  	_ =	task.clear_ibuf [dreg:s8], $0x2FFFF;
	_ =	strace $0x9FFFFFFF  }
0xc4: {  	(tm) =	ssettm $0x7FFFFFFF  }
0xc5: {  	_ =	shalt  }
tec
execute0_lowered:
.L_overlay_start_1:
0x0: {  	(tag) =	ssettag $0x1  }
0x1: {  	s1 =	rddreg [dreg:$0x0]  }
0x2: {  	s0 =	rddreg [dreg:$0x1]  }
0x3: {  	s2 =	rddreg [dreg:$0x2];
	s3 =	simm.s32 $0x0  }
0x4: {  	s4 =	srdreg.scid;
	s11 =	stileid.u32;
	s23 =	simm.s32 $0x3  }
0x5: {  	s24 =	simm.s32 $0x138;
	s25 =	simm.s32 $0xF00;
	s5 =	smul.u32 $0x76000, s11  }
0x6: {  	s28 =	simm.s32 $0x1;
	s29 =	simm.s32 $0x2;
	s7 =	smul.u32 $0x1D8, s11  }
0x7: {  	s30 =	simm.s32 $0xB10;
	s31 =	simm.s32 $0xCE8;
	s9 =	smul.u32 $0xEC00, s11  }
0x8: {  	[smem:$0x7FF] =	sst s3;
	s4 =	sand.u32 $0x1, s4;
	s13 =	smul.u32 $0x9C0, s11  }
0x9: {  	s2 =	sadd.s32 $0x200, s2;
	s14 =	smul.u32 $0x4E000, s11;
	s6 =	ssub.s32 $0x2, s4  }
0xa: {  	_ =	strace $0x80000047;
	p0 =	seq.s32 s4, $0x1;
	s8 =	sshrl.u32 s6, $0x1  }
0xb: {  	s5 =	sshrl.u32 s5, $0x3;
	s4 =	sadd.s32 s0, s7;
	s13 =	sadd.s32 $0xEC00, s13  }
0xc: {  	s17 =	sshrl.u32 s14, $0x3;
	s22 =	ssub.s32 s6, s8;
	s12 =	sadd.s32 s2, s5  }
0xd: {  	s5 =	sadd.s32 s2, s9;
	s15 =	sshrl.u32 s13, $0x3;
	s16 =	sshll.u32 s13, $0x4  }
0xe: {  	s26 =	sadd.s32 s2, s17;
	s6 =	sadd.s32 $0x1D80, s12;
	s7 =	sadd.s32 $0x3B00, s12  }
0xf: {  	s8 =	sadd.s32 $0x5880, s12;
	s9 =	sadd.s32 $0x7600, s12;
	s10 =	sadd.s32 $0x9380, s12  }
.Ltmp0:
0x10: {  	s11 =	sadd.s32 $0xB100, s12;
	s12 =	sadd.s32 $0xCE80, s12;
	(pc) =	sbr.rel .LBB2_1-.Ltmp0, $4  }
0x11: {  	s13 =	sadd.s32 s0, s15;
	s14 =	sadd.s32 s2, s16;
	s15 =	sadd.s32 $0xED380, s26  }
0x12: {  	s16 =	sadd.s32 $0xEE700, s26;
	s17 =	sadd.s32 $0xEFA80, s26;
	s18 =	sadd.s32 $0xF0E00, s26  }
0x13: {  	s19 =	sadd.s32 $0xF2180, s26;
	s20 =	sadd.s32 $0xF3500, s26;
	s21 =	sadd.s32 $0xF4880, s26  }
0x14: {  	s22 =	smax.u32 s22, $0x1;
	s26 =	simm.s32 $0xFB00;
	s0 =	simm.s32 $0x1D8  }
.LBB2_3:
0x15: {  	[tilespmem:s3], [sflag:$0x3] =	stream.linear.gather [hbm4b:s13+s3], $0x9C0, $0x38;
	[tilespmem:$0x1E700] =	vst v63  }
0x16: {  	_ =	swait.ge [sflag:s23], $0x9C0  }
0x17: {  	[sflag:s23] =	ssyncset.done $0x0  }
0x18: {  	[sflag:s23] =	ssyncadd.s32 $0xFFFFF640  }
0x19: {  	[tilespmem:s25], [sflag:$0x1] =	stream.indirect.gather [hbm4b:s1+s24], $0x80, s3, s24, $0xb8;
	[tilespmem:$0x1E700] =	vst v63  }
0x1a: {  	_ = 	snop  }
0x1b: {  	[tilespmem:s26], [sflag:$0x1] =	stream.indirect.gather [hbm4b:s1+s24], $0x80, s24, s24, $0xb8;
	[tilespmem:$0x1E700] =	vst v63  }
0x1c: {  	_ =	swait.ge [sflag:s28], $0x9C00  }
0x1d: {  	[sflag:s28] =	ssyncset.done $0x0  }
0x1e: {  	[sflag:s28] =	ssyncadd.s32 $0xFFFF6400  }
0x1f: {  	[hbm4b:s14+s3] =	stream.linear.scatter [tilespmem:s25], [sflag:$0x2], $0x9C00, $0x38;
	[tilespmem:$0x1E700] =	vst v63  }
0x20: {  	_ =	swait.ge [sflag:s29], $0x9C00  }
0x21: {  	[sflag:s29] =	ssyncset.done $0x0  }
0x22: {  	s2 =	simm.s32 $0x270;
	[sflag:s29] =	ssyncadd.s32 $0xFFFF6400  }
0x23: {  	[tilespmem:s25], [sflag:$0x1] =	stream.indirect.gather [hbm4b:s1+s24], $0x80, s2, s24, $0xb8;
	[tilespmem:$0x1E700] =	vst v63  }
0x24: {  	_ =	swait.ge [sflag:s28], $0x9C00  }
0x25: {  	[sflag:s28] =	ssyncset.done $0x0  }
0x26: {  	[sflag:s28] =	ssyncadd.s32 $0xFFFF6400  }
0x27: {  	[hbm4b:s15+s3] =	stream.linear.scatter [tilespmem:s26], [sflag:$0x2], $0x9C00, $0x38;
	[tilespmem:$0x1E700] =	vst v63  }
0x28: {  	_ =	swait.ge [sflag:s29], $0x9C00  }
0x29: {  	[sflag:s29] =	ssyncset.done $0x0  }
0x2a: {  	s2 =	simm.s32 $0x3A8;
	[sflag:s29] =	ssyncadd.s32 $0xFFFF6400  }
0x2b: {  	[tilespmem:s26], [sflag:$0x1] =	stream.indirect.gather [hbm4b:s1+s24], $0x80, s2, s24, $0xb8;
	[tilespmem:$0x1E700] =	vst v63  }
0x2c: {  	_ =	swait.ge [sflag:s28], $0x9C00  }
0x2d: {  	[sflag:s28] =	ssyncset.done $0x0  }
0x2e: {  	[sflag:s28] =	ssyncadd.s32 $0xFFFF6400  }
0x2f: {  	[hbm4b:s16+s3] =	stream.linear.scatter [tilespmem:s25], [sflag:$0x2], $0x9C00, $0x38;
	[tilespmem:$0x1E700] =	vst v63  }
0x30: {  	_ =	swait.ge [sflag:s29], $0x9C00  }
0x31: {  	[sflag:s29] =	ssyncset.done $0x0  }
0x32: {  	s2 =	simm.s32 $0x4E0;
	[sflag:s29] =	ssyncadd.s32 $0xFFFF6400  }
0x33: {  	[tilespmem:s25], [sflag:$0x1] =	stream.indirect.gather [hbm4b:s1+s24], $0x80, s2, s24, $0xb8;
	[tilespmem:$0x1E700] =	vst v63  }
0x34: {  	_ =	swait.ge [sflag:s28], $0x9C00  }
0x35: {  	[sflag:s28] =	ssyncset.done $0x0  }
0x36: {  	[sflag:s28] =	ssyncadd.s32 $0xFFFF6400  }
0x37: {  	[hbm4b:s17+s3] =	stream.linear.scatter [tilespmem:s26], [sflag:$0x2], $0x9C00, $0x38;
	[tilespmem:$0x1E700] =	vst v63  }
0x38: {  	_ =	swait.ge [sflag:s29], $0x9C00  }
0x39: {  	[sflag:s29] =	ssyncset.done $0x0  }
0x3a: {  	s2 =	simm.s32 $0x618;
	[sflag:s29] =	ssyncadd.s32 $0xFFFF6400  }
0x3b: {  	[tilespmem:s26], [sflag:$0x1] =	stream.indirect.gather [hbm4b:s1+s24], $0x80, s2, s24, $0xb8;
	[tilespmem:$0x1E700] =	vst v63  }
0x3c: {  	_ =	swait.ge [sflag:s28], $0x9C00  }
0x3d: {  	[sflag:s28] =	ssyncset.done $0x0  }
0x3e: {  	[sflag:s28] =	ssyncadd.s32 $0xFFFF6400  }
0x3f: {  	[hbm4b:s18+s3] =	stream.linear.scatter [tilespmem:s25], [sflag:$0x2], $0x9C00, $0x38;
	[tilespmem:$0x1E700] =	vst v63  }
0x40: {  	_ =	swait.ge [sflag:s29], $0x9C00  }
0x41: {  	[sflag:s29] =	ssyncset.done $0x0  }
0x42: {  	s2 =	simm.s32 $0x750;
	[sflag:s29] =	ssyncadd.s32 $0xFFFF6400  }
0x43: {  	[tilespmem:s25], [sflag:$0x1] =	stream.indirect.gather [hbm4b:s1+s24], $0x80, s2, s24, $0xb8;
	[tilespmem:$0x1E700] =	vst v63  }
0x44: {  	_ =	swait.ge [sflag:s28], $0x9C00  }
0x45: {  	[sflag:s28] =	ssyncset.done $0x0  }
0x46: {  	[sflag:s28] =	ssyncadd.s32 $0xFFFF6400  }
0x47: {  	[hbm4b:s19+s3] =	stream.linear.scatter [tilespmem:s26], [sflag:$0x2], $0x9C00, $0x38;
	[tilespmem:$0x1E700] =	vst v63  }
0x48: {  	_ =	swait.ge [sflag:s29], $0x9C00  }
0x49: {  	[sflag:s29] =	ssyncset.done $0x0  }
0x4a: {  	s2 =	simm.s32 $0x888;
	[sflag:s29] =	ssyncadd.s32 $0xFFFF6400  }
0x4b: {  	[tilespmem:s26], [sflag:$0x1] =	stream.indirect.gather [hbm4b:s1+s24], $0x80, s2, s24, $0xb8;
	[tilespmem:$0x1E700] =	vst v63  }
0x4c: {  	_ =	swait.ge [sflag:s28], $0x9C00  }
0x4d: {  	[sflag:s28] =	ssyncset.done $0x0  }
0x4e: {  	[sflag:s28] =	ssyncadd.s32 $0xFFFF6400  }
0x4f: {  	[hbm4b:s20+s3] =	stream.linear.scatter [tilespmem:s25], [sflag:$0x2], $0x9C00, $0x38;
	[tilespmem:$0x1E700] =	vst v63  }
0x50: {  	_ =	swait.ge [sflag:s28], $0x9C00  }
0x51: {  	[sflag:s28] =	ssyncset.done $0x0  }
0x52: {  	[sflag:s28] =	ssyncadd.s32 $0xFFFF6400  }
0x53: {  	[hbm4b:s21+s3] =	stream.linear.scatter [tilespmem:s26], [sflag:$0x2], $0x9C00, $0x38;
	[tilespmem:$0x1E700] =	vst v63  }
0x54: {  	_ =	swait.ge [sflag:s29], $0x9C00  }
0x55: {  	[sflag:s29] =	ssyncset.done $0x0  }
0x56: {  	[sflag:s29] =	ssyncadd.s32 $0xFFFF6400  }
0x57: {  	_ =	swait.ge [sflag:s29], $0x9C00  }
0x58: {  	[sflag:s29] =	ssyncset.done $0x0  }
0x59: {  	[sflag:s29] =	ssyncadd.s32 $0xFFFF6400  }
.LBB2_4:
0x5a: {  	s22 =	sadd.s32 $0xFFFFFFFF, s22  }
0x5b: {  	p1 =	sne.s32 s22, $0x0  }
.Ltmp1:
0x5c: {  	_ = 	snop;
	(pc) =	sbr.rel @!p1 .LBB2_5-.Ltmp1, $1  }
0x5d: {  	_ =	sdelay $0x3  }
.LBB2_1:
.Ltmp2:
0x5e: {  	(pc) =	sbr.rel @p0 .LBB2_3-.Ltmp2, $1  }
0x5f: {  	_ =	sdelay $0x3  }
0x60: {  	[tilespmem:s3], [sflag:$0x3] =	stream.linear.gather [hbm4b:s4+s3], $0xEC0, $0x38;
	[tilespmem:$0x1E700] =	vst v63  }
0x61: {  	_ =	swait.ge [sflag:s23], $0xEC0  }
0x62: {  	[sflag:s23] =	ssyncset.done $0x0  }
0x63: {  	[sflag:s23] =	ssyncadd.s32 $0xFFFFF140  }
0x64: {  	[tilespmem:s25], [sflag:$0x1] =	stream.indirect.gather [hbm4b:s1+s0], $0x80, s3, s0, $0xb8;
	[tilespmem:$0x1E700] =	vst v63  }
0x65: {  	_ = 	snop  }
0x66: {  	[tilespmem:s26], [sflag:$0x1] =	stream.indirect.gather [hbm4b:s1+s0], $0x80, s0, s0, $0xb8;
	[tilespmem:$0x1E700] =	vst v63  }
0x67: {  	_ =	swait.ge [sflag:s28], $0xEC00  }
0x68: {  	[sflag:s28] =	ssyncset.done $0x0  }
0x69: {  	[sflag:s28] =	ssyncadd.s32 $0xFFFF1400  }
0x6a: {  	[hbm4b:s5+s3] =	stream.linear.scatter [tilespmem:s25], [sflag:$0x2], $0xEC00, $0x38;
	[tilespmem:$0x1E700] =	vst v63  }
0x6b: {  	_ =	swait.ge [sflag:s29], $0xEC00  }
0x6c: {  	[sflag:s29] =	ssyncset.done $0x0  }
0x6d: {  	s2 =	simm.s32 $0x3B0;
	[sflag:s29] =	ssyncadd.s32 $0xFFFF1400  }
0x6e: {  	[tilespmem:s25], [sflag:$0x1] =	stream.indirect.gather [hbm4b:s1+s0], $0x80, s2, s0, $0xb8;
	[tilespmem:$0x1E700] =	vst v63  }
0x6f: {  	_ =	swait.ge [sflag:s28], $0xEC00  }
0x70: {  	[sflag:s28] =	ssyncset.done $0x0  }
0x71: {  	[sflag:s28] =	ssyncadd.s32 $0xFFFF1400  }
0x72: {  	[hbm4b:s6+s3] =	stream.linear.scatter [tilespmem:s26], [sflag:$0x2], $0xEC00, $0x38;
	[tilespmem:$0x1E700] =	vst v63  }
0x73: {  	_ =	swait.ge [sflag:s29], $0xEC00  }
0x74: {  	[sflag:s29] =	ssyncset.done $0x0  }
0x75: {  	s2 =	simm.s32 $0x588;
	[sflag:s29] =	ssyncadd.s32 $0xFFFF1400  }
0x76: {  	[tilespmem:s26], [sflag:$0x1] =	stream.indirect.gather [hbm4b:s1+s0], $0x80, s2, s0, $0xb8;
	[tilespmem:$0x1E700] =	vst v63  }
0x77: {  	_ =	swait.ge [sflag:s28], $0xEC00  }
0x78: {  	[sflag:s28] =	ssyncset.done $0x0  }
0x79: {  	[sflag:s28] =	ssyncadd.s32 $0xFFFF1400  }
0x7a: {  	[hbm4b:s7+s3] =	stream.linear.scatter [tilespmem:s25], [sflag:$0x2], $0xEC00, $0x38;
	[tilespmem:$0x1E700] =	vst v63  }
0x7b: {  	_ =	swait.ge [sflag:s29], $0xEC00  }
0x7c: {  	[sflag:s29] =	ssyncset.done $0x0  }
0x7d: {  	s2 =	simm.s32 $0x760;
	[sflag:s29] =	ssyncadd.s32 $0xFFFF1400  }
0x7e: {  	[tilespmem:s25], [sflag:$0x1] =	stream.indirect.gather [hbm4b:s1+s0], $0x80, s2, s0, $0xb8;
	[tilespmem:$0x1E700] =	vst v63  }
0x7f: {  	_ =	swait.ge [sflag:s28], $0xEC00  }
0x80: {  	[sflag:s28] =	ssyncset.done $0x0  }
0x81: {  	[sflag:s28] =	ssyncadd.s32 $0xFFFF1400  }
0x82: {  	[hbm4b:s8+s3] =	stream.linear.scatter [tilespmem:s26], [sflag:$0x2], $0xEC00, $0x38;
	[tilespmem:$0x1E700] =	vst v63  }
0x83: {  	_ =	swait.ge [sflag:s29], $0xEC00  }
0x84: {  	[sflag:s29] =	ssyncset.done $0x0  }
0x85: {  	s2 =	simm.s32 $0x938;
	[sflag:s29] =	ssyncadd.s32 $0xFFFF1400  }
0x86: {  	[tilespmem:s26], [sflag:$0x1] =	stream.indirect.gather [hbm4b:s1+s0], $0x80, s2, s0, $0xb8;
	[tilespmem:$0x1E700] =	vst v63  }
0x87: {  	_ =	swait.ge [sflag:s28], $0xEC00  }
0x88: {  	[sflag:s28] =	ssyncset.done $0x0  }
0x89: {  	[sflag:s28] =	ssyncadd.s32 $0xFFFF1400  }
0x8a: {  	[hbm4b:s9+s3] =	stream.linear.scatter [tilespmem:s25], [sflag:$0x2], $0xEC00, $0x38;
	[tilespmem:$0x1E700] =	vst v63  }
0x8b: {  	_ =	swait.ge [sflag:s29], $0xEC00  }
0x8c: {  	[sflag:s29] =	ssyncset.done $0x0  }
0x8d: {  	[sflag:s29] =	ssyncadd.s32 $0xFFFF1400  }
0x8e: {  	[tilespmem:s25], [sflag:$0x1] =	stream.indirect.gather [hbm4b:s1+s0], $0x80, s30, s0, $0xb8;
	[tilespmem:$0x1E700] =	vst v63  }
0x8f: {  	_ =	swait.ge [sflag:s28], $0xEC00  }
0x90: {  	[sflag:s28] =	ssyncset.done $0x0  }
0x91: {  	[sflag:s28] =	ssyncadd.s32 $0xFFFF1400  }
0x92: {  	[hbm4b:s10+s3] =	stream.linear.scatter [tilespmem:s26], [sflag:$0x2], $0xEC00, $0x38;
	[tilespmem:$0x1E700] =	vst v63  }
0x93: {  	_ =	swait.ge [sflag:s29], $0xEC00  }
0x94: {  	[sflag:s29] =	ssyncset.done $0x0  }
0x95: {  	[sflag:s29] =	ssyncadd.s32 $0xFFFF1400  }
0x96: {  	[tilespmem:s26], [sflag:$0x1] =	stream.indirect.gather [hbm4b:s1+s0], $0x80, s31, s0, $0xb8;
	[tilespmem:$0x1E700] =	vst v63  }
0x97: {  	_ =	swait.ge [sflag:s28], $0xEC00  }
0x98: {  	[sflag:s28] =	ssyncset.done $0x0  }
0x99: {  	[sflag:s28] =	ssyncadd.s32 $0xFFFF1400  }
0x9a: {  	[hbm4b:s11+s3] =	stream.linear.scatter [tilespmem:s25], [sflag:$0x2], $0xEC00, $0x38;
	[tilespmem:$0x1E700] =	vst v63  }
0x9b: {  	_ =	swait.ge [sflag:s28], $0xEC00  }
0x9c: {  	[sflag:s28] =	ssyncset.done $0x0  }
0x9d: {  	[sflag:s28] =	ssyncadd.s32 $0xFFFF1400  }
0x9e: {  	[hbm4b:s12+s3] =	stream.linear.scatter [tilespmem:s26], [sflag:$0x2], $0xEC00, $0x38;
	[tilespmem:$0x1E700] =	vst v63  }
0x9f: {  	_ =	swait.ge [sflag:s29], $0xEC00  }
.Ltmp3:
0xa0: {  	[sflag:s29] =	ssyncset.done $0x0;
	(pc) =	sbr.rel .LBB2_4-.Ltmp3, $4  }
0xa1: {  	[sflag:s29] =	ssyncadd.s32 $0xFFFF1400  }
0xa2: {  	_ =	swait.ge [sflag:s29], $0xEC00  }
0xa3: {  	[sflag:s29] =	ssyncset.done $0x0  }
0xa4: {  	[sflag:s29] =	ssyncadd.s32 $0xFFFF1400  }
.LBB2_5:
0xa5: {  	_ =	sfence.sel $0x180000  }
0xa6: {  	[bflag:$0x0] =	sbarrier.arrive $0xFFFF  }
0xa7: {  	_ =	strace $0x90000047  }
0xa8: {  	s0 =	stileid.u32;
	[bflag:$0x2] =	sbarrier.arrive $0xFFFF  }
0xa9: {  	p0 =	sne.s32 s0, $0x0;
	s0 =	rddreg [dreg:$0x3]  }
0xaa: {  	s0 =	sadd.s32 @!p0 $0x100000, s0  }
0xab: {  	[sflag:s0] =	ssyncadd.tile.s32 @!p0 $0x1;
	_ =	shalt  }
.Lfunc_end2:
_tile_overlayer_lowered:
.L_overlay_start_2:
0xac: {  	(tag) =	ssettag $0x2  }
0xad: {  	s0 =	rddreg [dreg:$0x0];
	s2 =	stileid.u32  }
0xae: {  	s1 =	rddreg [dreg:$0x1];
	p0 =	sne.s32 s2, $0x0  }
0xaf: {  	s3 =	rddreg [dreg:$0x2];
	[bflag:$0x3] =	sbarrier.arrive $0xFFFF;
	s2 =	simm.s32 @!p0 $0x1C03  }
0xb0: {  	[timem:s3], [sflag:s2] =	dma.local @!p0 [hbm:s0], s1  }
0xb1: {  	s0 =	simm.s32 @!p0 $0x3  }
0xb2: {  	_ =	swait.ge @!p0 [sflag:s0], s1  }
0xb3: {  	s1 =	ssub.s32 @!p0 $0x0, s1;
	[sflag:s0] =	ssyncset.done @!p0 $0x0  }
0xb4: {  	[sflag:s0] =	ssyncadd.s32 @!p0 s1  }
0xb5: {  	[bflag:$0x3] =	sbarrier.arrive $0xFFFF  }
0xb6: {  	_ =	shalt  }

</sc_bundles>
